<compile_context>
chip_gen: v7x
topology: tpu7x:2x2x1
jax: 0.10.2.dev20260603
libtpu: 0.0.44.dev20260713+nightly
codegen_flags: <defaults>
</compile_context>

<pallas_src>
import functools

import jax
import jax.numpy as jnp
from jax import lax
from jax.experimental import pallas as pl
from jax.experimental.pallas import tpu as pltpu
from jax.experimental.pallas import tpu_sc as plsc

BATCH = 4
DIMZ = DIMY = DIMX = 128
WIDTH = 320
HEIGHT = 240
DEPTH_MIN = 0.4
RAY_INC = 0.05
NSTEPS = 72
NPIX = HEIGHT * WIDTH
ZGROUPS = DIMZ // 32
NWORDS = ZGROUPS * DIMY * DIMX

NWORKERS = 32
CHUNKS = NWORKERS // BATCH
CHUNK_PIX = NPIX // CHUNKS
VREGS = CHUNK_PIX // 16

MAGIC = 12582912.0


def _bf16q(x):
    q = lax.bitcast_convert_type(x, jnp.int32)
    bias = 0x7FFF + ((q >> 16) & 1)
    q2 = (q + bias) & jnp.int32(~0xFFFF)
    return lax.bitcast_convert_type(q2, jnp.float32)


def _pack_kernel(occ_ref, out_ref):
    x = occ_ref[0]
    lo = x[0]
    for j in range(1, 16):
        lo = lo + x[j] * float(2 ** j)
    hi = x[16]
    for j in range(1, 16):
        hi = hi + x[16 + j] * float(2 ** j)
    out_ref[0] = lo.astype(jnp.int32) | (hi.astype(jnp.int32) << 16)


def _pack_volume(occ3d):
    occ = occ3d.reshape(BATCH * ZGROUPS, 32, DIMY, DIMX)
    return pl.pallas_call(
        _pack_kernel,
        grid=(BATCH * ZGROUPS,),
        in_specs=[pl.BlockSpec((1, 32, DIMY, DIMX), lambda g: (g, 0, 0, 0))],
        out_specs=pl.BlockSpec((1, DIMY, DIMX), lambda g: (g, 0, 0)),
        out_shape=jax.ShapeDtypeStruct((BATCH * ZGROUPS, DIMY, DIMX), jnp.int32),
    )(occ)


def _raycast_body(packed_hbm, ugrid_hbm, vgrid_hbm, params_hbm, out_hbm,
                  packed_v, u_v, v_v, par_v, out_v, acc_v, sem):
    c = lax.axis_index("c")
    s = lax.axis_index("s")
    wid = s * 2 + c
    b = wid & 3
    chunk = wid >> 2
    pix0 = chunk * CHUNK_PIX

    pltpu.sync_copy(packed_hbm.at[b], packed_v)
    pltpu.sync_copy(ugrid_hbm.at[pl.ds(pix0, CHUNK_PIX)], u_v)
    pltpu.sync_copy(vgrid_hbm.at[pl.ds(pix0, CHUNK_PIX)], v_v)
    pltpu.sync_copy(params_hbm.at[b], par_v)

    m00 = _bf16q(par_v[0, :])
    m01 = _bf16q(par_v[1, :])
    m02 = _bf16q(par_v[2, :])
    m10 = _bf16q(par_v[3, :])
    m11 = _bf16q(par_v[4, :])
    m12 = _bf16q(par_v[5, :])
    m20 = _bf16q(par_v[6, :])
    m21 = _bf16q(par_v[7, :])
    m22 = _bf16q(par_v[8, :])
    tx = _bf16q(par_v[9, :])
    ty = _bf16q(par_v[10, :])
    tz = _bf16q(par_v[11, :])
    fx = par_v[12, :]
    fy = par_v[13, :]
    cx = par_v[14, :]
    cy = par_v[15, :]

    def prep_iter(i, carry):
        off = i * 16
        u = u_v[pl.ds(off, 16)]
        v = v_v[pl.ds(off, 16)]
        u_v[pl.ds(off, 16)] = (u - cx) / fx
        v_v[pl.ds(off, 16)] = (v - cy) / fy
        acc_v[pl.ds(off, 16)] = jnp.zeros((16,), jnp.int32)
        return carry

    lax.fori_loop(0, VREGS, prep_iter, 0)

    def step(k, carry):
        d = DEPTH_MIN + k.astype(jnp.float32) * RAY_INC
        dv = jnp.full((16,), 0.0, jnp.float32) + d
        dq = _bf16q(dv)
        zxs = m02 * dq
        zys = m12 * dq
        szs = m22 * dq + tz

        def pixel_iter(i, c2):
            off = i * 16
            a0 = u_v[pl.ds(off, 16)]
            a1 = v_v[pl.ds(off, 16)]
            xcq = _bf16q(a0 * dv)
            ycq = _bf16q(a1 * dv)
            x = (m00 * xcq + tx) + (m01 * ycq + zxs)
            y = (m11 * ycq + ty) + (m10 * xcq + zys)
            z = szs + (m20 * xcq + m21 * ycq)
            hic = jnp.maximum(x, jnp.maximum(y, z))
            loc = jnp.minimum(x, jnp.minimum(y, z))
            valid = (loc >= -0.5) & (hic < 127.5)
            xr = (x + MAGIC) - MAGIC
            yr = (y + MAGIC) - MAGIC
            zr = (z + MAGIC) - MAGIC
            xi = xr.astype(jnp.int32)
            yi = yr.astype(jnp.int32)
            zi = zr.astype(jnp.int32)
            widx = (((zi >> 5) << 14) | (yi << 7) | xi) & 0xFFFF
            w = plsc.load_gather(packed_v, [widx])
            hit = (w >> (zi & 31)) & 1
            acc_v[pl.ds(off, 16)] = acc_v[pl.ds(off, 16)] | jnp.where(valid, hit, 0)
            return c2

        lax.fori_loop(0, VREGS, pixel_iter, 0)
        return carry

    lax.fori_loop(0, NSTEPS, step, 0)

    def emit_iter(i, carry):
        off = i * 16
        out_v[pl.ds(off, 16)] = acc_v[pl.ds(off, 16)].astype(jnp.float32)
        return carry

    lax.fori_loop(0, VREGS, emit_iter, 0)
    pltpu.sync_copy(out_v, out_hbm.at[b, pl.ds(pix0, CHUNK_PIX)])


def _raycast(packed, ugrid, vgrid, params):
    mesh = plsc.VectorSubcoreMesh(core_axis_name="c", subcore_axis_name="s")
    fn = pl.kernel(
        _raycast_body,
        out_type=jax.ShapeDtypeStruct((BATCH, NPIX), jnp.float32),
        mesh=mesh,
        compiler_params=pltpu.CompilerParams(needs_layout_passes=False),
        scratch_types=[
            pltpu.VMEM((NWORDS,), jnp.int32),
            pltpu.VMEM((CHUNK_PIX,), jnp.float32),
            pltpu.VMEM((CHUNK_PIX,), jnp.float32),
            pltpu.VMEM((16, 16), jnp.float32),
            pltpu.VMEM((CHUNK_PIX,), jnp.float32),
            pltpu.VMEM((CHUNK_PIX,), jnp.int32),
            pltpu.SemaphoreType.DMA,
        ],
    )
    return fn(packed, ugrid, vgrid, params)


def kernel(occ3d, view_matrix, intrinsic_params):
    packed = _pack_volume(occ3d).reshape(BATCH, NWORDS)

    u = jnp.tile(jnp.arange(WIDTH, dtype=jnp.float32), (HEIGHT,))
    v = jnp.repeat(jnp.arange(HEIGHT, dtype=jnp.float32), WIDTH)

    p = jnp.stack([
        view_matrix[:, 0, 0], view_matrix[:, 0, 1], view_matrix[:, 0, 2],
        view_matrix[:, 1, 0], view_matrix[:, 1, 1], view_matrix[:, 1, 2],
        view_matrix[:, 2, 0], view_matrix[:, 2, 1], view_matrix[:, 2, 2],
        view_matrix[:, 0, 3], view_matrix[:, 1, 3], view_matrix[:, 2, 3],
        intrinsic_params[:, 0], intrinsic_params[:, 1],
        intrinsic_params[:, 2], intrinsic_params[:, 3],
    ], axis=1)
    params = jnp.tile(p[:, :, None], (1, 1, 16))

    out = _raycast(packed, u, v, params)
    return out.reshape(BATCH, 1, HEIGHT, WIDTH)

# --- scband reference (transcript-rebuilt; emitter-appended) ---
"""Pipeline reference for scband-raycast-occ-39934605919045 (READ-ONLY COPY).

The authoritative reference and input builder live on the scoring server;
editing this copy changes nothing except your own understanding.
"""

import jax, jax.numpy as jnp
import numpy as np

BATCH = 4
DIMS3D = (128, 128, 128)  # (dimz, dimy, dimx)
WIDTH = 320
HEIGHT = 240
DEPTH_MIN = 0.4
DEPTH_MAX = 4.0
RAY_INC = 0.05
NSTEPS = int(round((DEPTH_MAX - DEPTH_MIN) / RAY_INC))  # 72 samples per ray


def setup_inputs(seed: int = 0) -> dict:
    key = jax.random.key(seed)
    k1, k2, k3 = jax.random.split(key, 3)
    # sparse binary occupancy volume (float so it is differentiable in the bwd variant)
    occ3d = (jax.random.uniform(k1, (BATCH, 1) + DIMS3D) > 0.995).astype(jnp.float32)
    # camera->grid transform: 32 voxels per meter, grid centered at (64, 64) in x/y
    vm = jnp.array([[32.0, 0.0, 0.0, 64.0],
                    [0.0, 32.0, 0.0, 64.0],
                    [0.0, 0.0, 32.0, 0.0],
                    [0.0, 0.0, 0.0, 1.0]], dtype=jnp.float32)
    view_matrix = jnp.tile(vm[None], (BATCH, 1, 1)) + 0.01 * jax.random.normal(k2, (BATCH, 4, 4), dtype=jnp.float32)
    intr = jnp.array([277.0, 277.0, 160.0, 120.0], dtype=jnp.float32)  # fx, fy, cx, cy
    intrinsic_params = jnp.tile(intr[None], (BATCH, 1)) * (1.0 + 0.01 * jax.random.uniform(k3, (BATCH, 4), dtype=jnp.float32))
    return {"occ3d": occ3d, "view_matrix": view_matrix, "intrinsic_params": intrinsic_params}


def reference(occ3d, view_matrix, intrinsic_params):
    # Raycast an occupancy volume into a 2D occupancy image: for each pixel,
    # march a camera ray from DEPTH_MIN to DEPTH_MAX in RAY_INC steps, transform
    # each sample into grid coordinates via view_matrix, do a nearest-neighbor
    # lookup into occ3d, and mark the pixel occupied if any sample hits.
    B = occ3d.shape[0]
    dimz, dimy, dimx = occ3d.shape[-3:]
    H, W = HEIGHT, WIDTH
    u = jnp.arange(W, dtype=jnp.float32)[None, None, :]   # [1,1,W]
    v = jnp.arange(H, dtype=jnp.float32)[None, :, None]   # [1,H,1]
    fx = intrinsic_params[:, 0][:, None, None]
    fy = intrinsic_params[:, 1][:, None, None]
    cx = intrinsic_params[:, 2][:, None, None]
    cy = intrinsic_params[:, 3][:, None, None]
    occ_flat = occ3d.reshape(B, -1)
    depths = DEPTH_MIN + jnp.arange(NSTEPS, dtype=jnp.float32) * RAY_INC

    def step(carry, d):
        xc = jnp.broadcast_to((u - cx) / fx * d, (B, H, W))
        yc = jnp.broadcast_to((v - cy) / fy * d, (B, H, W))
        zc = jnp.full((B, H, W), d, dtype=jnp.float32)
        ones = jnp.ones((B, H, W), dtype=jnp.float32)
        pts = jnp.stack([xc, yc, zc, ones], axis=-1)            # [B,H,W,4] camera-space homogeneous
        wpt = jnp.einsum('bij,bhwj->bhwi', view_matrix, pts)    # [B,H,W,4] grid-space
        xi = jnp.round(wpt[..., 0]).astype(jnp.int32)
        yi = jnp.round(wpt[..., 1]).astype(jnp.int32)
        zi = jnp.round(wpt[..., 2]).astype(jnp.int32)
        valid = (xi >= 0) & (xi < dimx) & (yi >= 0) & (yi < dimy) & (zi >= 0) & (zi < dimz)
        xi = jnp.clip(xi, 0, dimx - 1)
        yi = jnp.clip(yi, 0, dimy - 1)
        zi = jnp.clip(zi, 0, dimz - 1)
        idx = (zi * dimy + yi) * dimx + xi                      # [B,H,W]
        vals = jnp.take_along_axis(occ_flat, idx.reshape(B, -1), axis=1).reshape(B, H, W)
        vals = jnp.where(valid, vals, 0.0)
        return jnp.maximum(carry, vals), None

    occ2d, _ = jax.lax.scan(step, jnp.zeros((B, H, W), dtype=jnp.float32), depths)
    return occ2d[:, None, :, :]  # [B,1,H,W]

if __name__ == "__main__":
    import jax
    _d = setup_inputs()
    print(jax.jit(kernel)(*tuple(_d.values())))

</pallas_src>

<mosaic_0001>
#map = affine_map<(d0, d1) -> (0, 0)>
#map1 = affine_map<(d0, d1) -> (0)>
#map2 = affine_map<(d0, d1) -> (0, 0, 0)>
module attributes {stable_mosaic.version = 14 : i64} {
  func.func @_raycast_body(%arg0: i32, %arg1: i32, %arg2: memref<4x65536xi32, #tpu.memory_space<hbm>>, %arg3: memref<76800xf32, #tpu.memory_space<hbm>>, %arg4: memref<76800xf32, #tpu.memory_space<hbm>>, %arg5: memref<4x16x16xf32, #tpu.memory_space<hbm>>, %arg6: memref<4x76800xf32, #tpu.memory_space<hbm>>, %arg7: memref<65536xi32, #tpu.memory_space<vmem>>, %arg8: memref<9600xf32, #tpu.memory_space<vmem>>, %arg9: memref<9600xf32, #tpu.memory_space<vmem>>, %arg10: memref<16x16xf32, #tpu.memory_space<vmem>>, %arg11: memref<9600xf32, #tpu.memory_space<vmem>>, %arg12: memref<9600xi32, #tpu.memory_space<vmem>>, %arg13: memref<!tpu.dma_semaphore, #tpu.memory_space<semaphore_mem>>) attributes {dimension_semantics = [#tpu.dimension_semantics<core_parallel>, #tpu.dimension_semantics<subcore_parallel>], iteration_bounds = array<i64: 2, 16>, scalar_prefetch = 0 : i64, scratch_operands = 7 : i64, tpu.core_type = #tpu.core_type<sc_vector_subcore>, window_params = [{transform_indices = #map}, {transform_indices = #map1}, {transform_indices = #map1}, {transform_indices = #map2}, {transform_indices = #map}]} {
    %mul3A = arith.constant 2 : i32
    %mul3A_0 = arith.muli %arg1, %mul3A : i32
    %add3A = arith.addi %mul3A_0, %arg0 : i32
    %and3A = arith.constant 3 : i32
    %and3A_1 = arith.andi %add3A, %and3A : i32
    %shift_right_arithmetic3A = arith.constant 2 : i32
    %shift_right_arithmetic3A_2 = arith.shrsi %add3A, %shift_right_arithmetic3A : i32
    %mul3A_3 = arith.constant 9600 : i32
    %mul3A_4 = arith.muli %shift_right_arithmetic3A_2, %mul3A_3 : i32
    "tpu.region"() ({
      %run_scoped3A = tpu.sem_alloc : memref<!tpu.dma_semaphore, #tpu.memory_space<semaphore_mem>>
      %dma_start3A = arith.constant 0 : i32
      %dma_start3A_264 = tpu.memref_slice %arg2[%and3A_1, %dma_start3A] : memref<4x65536xi32, #tpu.memory_space<hbm>> -> memref<1x65536xi32, #tpu.memory_space<hbm>>
      %dma_start3A_265 = tpu.memref_squeeze %dma_start3A_264 : memref<1x65536xi32, #tpu.memory_space<hbm>> -> memref<65536xi32, #tpu.memory_space<hbm>>
      %dma_start3A_266 = arith.constant 0 : i32
      %dma_start3A_267 = tpu.memref_slice %arg2[%and3A_1, %dma_start3A_266] : memref<4x65536xi32, #tpu.memory_space<hbm>> -> memref<1x65536xi32, #tpu.memory_space<hbm>>
      %dma_start3A_268 = tpu.memref_squeeze %dma_start3A_267 : memref<1x65536xi32, #tpu.memory_space<hbm>> -> memref<65536xi32, #tpu.memory_space<hbm>>
      tpu.enqueue_dma source(%dma_start3A_268 : memref<65536xi32, #tpu.memory_space<hbm>>) target(%arg7 : memref<65536xi32, #tpu.memory_space<vmem>>) target_semaphore(%run_scoped3A : memref<!tpu.dma_semaphore, #tpu.memory_space<semaphore_mem>>)
      %dma_wait3A = arith.constant 0 : i32
      %dma_wait3A_269 = tpu.memref_slice %arg2[%and3A_1, %dma_wait3A] : memref<4x65536xi32, #tpu.memory_space<hbm>> -> memref<1x65536xi32, #tpu.memory_space<hbm>>
      %dma_wait3A_270 = tpu.memref_squeeze %dma_wait3A_269 : memref<1x65536xi32, #tpu.memory_space<hbm>> -> memref<65536xi32, #tpu.memory_space<hbm>>
      %dma_wait3A_271 = arith.constant 0 : i32
      %dma_wait3A_272 = tpu.memref_slice %arg2[%and3A_1, %dma_wait3A_271] : memref<4x65536xi32, #tpu.memory_space<hbm>> -> memref<1x65536xi32, #tpu.memory_space<hbm>>
      %dma_wait3A_273 = tpu.memref_squeeze %dma_wait3A_272 : memref<1x65536xi32, #tpu.memory_space<hbm>> -> memref<65536xi32, #tpu.memory_space<hbm>>
      tpu.wait_dma2 semaphore(%run_scoped3A : memref<!tpu.dma_semaphore, #tpu.memory_space<semaphore_mem>>) src(%dma_wait3A_273 : memref<65536xi32, #tpu.memory_space<hbm>>) dst(%arg7 : memref<65536xi32, #tpu.memory_space<vmem>>)
      tpu.yield
    }) : () -> ()
    "tpu.region"() ({
      %run_scoped3A = tpu.sem_alloc : memref<!tpu.dma_semaphore, #tpu.memory_space<semaphore_mem>>
      %dma_start3A = tpu.memref_slice %arg3[%mul3A_4] : memref<76800xf32, #tpu.memory_space<hbm>> -> memref<9600xf32, #tpu.memory_space<hbm>>
      %dma_start3A_264 = tpu.memref_slice %arg3[%mul3A_4] : memref<76800xf32, #tpu.memory_space<hbm>> -> memref<9600xf32, #tpu.memory_space<hbm>>
      tpu.enqueue_dma source(%dma_start3A_264 : memref<9600xf32, #tpu.memory_space<hbm>>) target(%arg8 : memref<9600xf32, #tpu.memory_space<vmem>>) target_semaphore(%run_scoped3A : memref<!tpu.dma_semaphore, #tpu.memory_space<semaphore_mem>>)
      %dma_wait3A = tpu.memref_slice %arg3[%mul3A_4] : memref<76800xf32, #tpu.memory_space<hbm>> -> memref<9600xf32, #tpu.memory_space<hbm>>
      %dma_wait3A_265 = tpu.memref_slice %arg3[%mul3A_4] : memref<76800xf32, #tpu.memory_space<hbm>> -> memref<9600xf32, #tpu.memory_space<hbm>>
      tpu.wait_dma2 semaphore(%run_scoped3A : memref<!tpu.dma_semaphore, #tpu.memory_space<semaphore_mem>>) src(%dma_wait3A_265 : memref<9600xf32, #tpu.memory_space<hbm>>) dst(%arg8 : memref<9600xf32, #tpu.memory_space<vmem>>)
      tpu.yield
    }) : () -> ()
    "tpu.region"() ({
      %run_scoped3A = tpu.sem_alloc : memref<!tpu.dma_semaphore, #tpu.memory_space<semaphore_mem>>
      %dma_start3A = tpu.memref_slice %arg4[%mul3A_4] : memref<76800xf32, #tpu.memory_space<hbm>> -> memref<9600xf32, #tpu.memory_space<hbm>>
      %dma_start3A_264 = tpu.memref_slice %arg4[%mul3A_4] : memref<76800xf32, #tpu.memory_space<hbm>> -> memref<9600xf32, #tpu.memory_space<hbm>>
      tpu.enqueue_dma source(%dma_start3A_264 : memref<9600xf32, #tpu.memory_space<hbm>>) target(%arg9 : memref<9600xf32, #tpu.memory_space<vmem>>) target_semaphore(%run_scoped3A : memref<!tpu.dma_semaphore, #tpu.memory_space<semaphore_mem>>)
      %dma_wait3A = tpu.memref_slice %arg4[%mul3A_4] : memref<76800xf32, #tpu.memory_space<hbm>> -> memref<9600xf32, #tpu.memory_space<hbm>>
      %dma_wait3A_265 = tpu.memref_slice %arg4[%mul3A_4] : memref<76800xf32, #tpu.memory_space<hbm>> -> memref<9600xf32, #tpu.memory_space<hbm>>
      tpu.wait_dma2 semaphore(%run_scoped3A : memref<!tpu.dma_semaphore, #tpu.memory_space<semaphore_mem>>) src(%dma_wait3A_265 : memref<9600xf32, #tpu.memory_space<hbm>>) dst(%arg9 : memref<9600xf32, #tpu.memory_space<vmem>>)
      tpu.yield
    }) : () -> ()
    "tpu.region"() ({
      %run_scoped3A = tpu.sem_alloc : memref<!tpu.dma_semaphore, #tpu.memory_space<semaphore_mem>>
      %dma_start3A = arith.constant 0 : i32
      %dma_start3A_264 = arith.constant 0 : i32
      %dma_start3A_265 = tpu.memref_slice %arg5[%and3A_1, %dma_start3A, %dma_start3A_264] : memref<4x16x16xf32, #tpu.memory_space<hbm>> -> memref<1x16x16xf32, #tpu.memory_space<hbm>>
      %dma_start3A_266 = tpu.memref_squeeze %dma_start3A_265 : memref<1x16x16xf32, #tpu.memory_space<hbm>> -> memref<16x16xf32, #tpu.memory_space<hbm>>
      %dma_start3A_267 = arith.constant 0 : i32
      %dma_start3A_268 = arith.constant 0 : i32
      %dma_start3A_269 = tpu.memref_slice %arg5[%and3A_1, %dma_start3A_267, %dma_start3A_268] : memref<4x16x16xf32, #tpu.memory_space<hbm>> -> memref<1x16x16xf32, #tpu.memory_space<hbm>>
      %dma_start3A_270 = tpu.memref_squeeze %dma_start3A_269 : memref<1x16x16xf32, #tpu.memory_space<hbm>> -> memref<16x16xf32, #tpu.memory_space<hbm>>
      tpu.enqueue_dma source(%dma_start3A_270 : memref<16x16xf32, #tpu.memory_space<hbm>>) target(%arg10 : memref<16x16xf32, #tpu.memory_space<vmem>>) target_semaphore(%run_scoped3A : memref<!tpu.dma_semaphore, #tpu.memory_space<semaphore_mem>>)
      %dma_wait3A = arith.constant 0 : i32
      %dma_wait3A_271 = arith.constant 0 : i32
      %dma_wait3A_272 = tpu.memref_slice %arg5[%and3A_1, %dma_wait3A, %dma_wait3A_271] : memref<4x16x16xf32, #tpu.memory_space<hbm>> -> memref<1x16x16xf32, #tpu.memory_space<hbm>>
      %dma_wait3A_273 = tpu.memref_squeeze %dma_wait3A_272 : memref<1x16x16xf32, #tpu.memory_space<hbm>> -> memref<16x16xf32, #tpu.memory_space<hbm>>
      %dma_wait3A_274 = arith.constant 0 : i32
      %dma_wait3A_275 = arith.constant 0 : i32
      %dma_wait3A_276 = tpu.memref_slice %arg5[%and3A_1, %dma_wait3A_274, %dma_wait3A_275] : memref<4x16x16xf32, #tpu.memory_space<hbm>> -> memref<1x16x16xf32, #tpu.memory_space<hbm>>
      %dma_wait3A_277 = tpu.memref_squeeze %dma_wait3A_276 : memref<1x16x16xf32, #tpu.memory_space<hbm>> -> memref<16x16xf32, #tpu.memory_space<hbm>>
      tpu.wait_dma2 semaphore(%run_scoped3A : memref<!tpu.dma_semaphore, #tpu.memory_space<semaphore_mem>>) src(%dma_wait3A_277 : memref<16x16xf32, #tpu.memory_space<hbm>>) dst(%arg10 : memref<16x16xf32, #tpu.memory_space<vmem>>)
      tpu.yield
    }) : () -> ()
    %get3A = arith.constant 0 : i32
    %get3A_5 = arith.index_cast %get3A : i32 to index
    %get3A_6 = arith.constant 0 : index
    %get3A_7 = tpu.vector_load %arg10[%get3A_5, %get3A_6] {strides = array<i32>} : memref<16x16xf32, #tpu.memory_space<vmem>>, vector<16xf32>,
    %bitcast_convert_type3A = tpu.bitcast %get3A_7 : vector<16xf32> -> vector<16xi32>
    %shift_right_arithmetic3A_8 = arith.constant 16 : i32
    %shift_right_arithmetic3A_9 = vector.broadcast %shift_right_arithmetic3A_8 : i32 to vector<16xi32>
    %shift_right_arithmetic3A_10 = arith.shrsi %bitcast_convert_type3A, %shift_right_arithmetic3A_9 : vector<16xi32>
    %and3A_11 = arith.constant 1 : i32
    %and3A_12 = vector.broadcast %and3A_11 : i32 to vector<16xi32>
    %and3A_13 = arith.andi %shift_right_arithmetic3A_10, %and3A_12 : vector<16xi32>
    %add3A_14 = arith.constant 32767 : i32
    %add3A_15 = vector.broadcast %add3A_14 : i32 to vector<16xi32>
    %add3A_16 = arith.addi %add3A_15, %and3A_13 : vector<16xi32>
    %add3A_17 = arith.addi %bitcast_convert_type3A, %add3A_16 : vector<16xi32>
    %and3A_18 = arith.constant -65536 : i32
    %and3A_19 = vector.broadcast %and3A_18 : i32 to vector<16xi32>
    %and3A_20 = arith.andi %add3A_17, %and3A_19 : vector<16xi32>
    %bitcast_convert_type3A_21 = tpu.bitcast %and3A_20 : vector<16xi32> -> vector<16xf32>
    %get3A_22 = arith.constant 1 : i32
    %get3A_23 = arith.index_cast %get3A_22 : i32 to index
    %get3A_24 = arith.constant 0 : index
    %get3A_25 = tpu.vector_load %arg10[%get3A_23, %get3A_24] {strides = array<i32>} : memref<16x16xf32, #tpu.memory_space<vmem>>, vector<16xf32>,
    %bitcast_convert_type3A_26 = tpu.bitcast %get3A_25 : vector<16xf32> -> vector<16xi32>
    %shift_right_arithmetic3A_27 = arith.constant 16 : i32
    %shift_right_arithmetic3A_28 = vector.broadcast %shift_right_arithmetic3A_27 : i32 to vector<16xi32>
    %shift_right_arithmetic3A_29 = arith.shrsi %bitcast_convert_type3A_26, %shift_right_arithmetic3A_28 : vector<16xi32>
    %and3A_30 = arith.constant 1 : i32
    %and3A_31 = vector.broadcast %and3A_30 : i32 to vector<16xi32>
    %and3A_32 = arith.andi %shift_right_arithmetic3A_29, %and3A_31 : vector<16xi32>
    %add3A_33 = arith.constant 32767 : i32
    %add3A_34 = vector.broadcast %add3A_33 : i32 to vector<16xi32>
    %add3A_35 = arith.addi %add3A_34, %and3A_32 : vector<16xi32>
    %add3A_36 = arith.addi %bitcast_convert_type3A_26, %add3A_35 : vector<16xi32>
    %and3A_37 = arith.constant -65536 : i32
    %and3A_38 = vector.broadcast %and3A_37 : i32 to vector<16xi32>
    %and3A_39 = arith.andi %add3A_36, %and3A_38 : vector<16xi32>
    %bitcast_convert_type3A_40 = tpu.bitcast %and3A_39 : vector<16xi32> -> vector<16xf32>
    %get3A_41 = arith.constant 2 : i32
    %get3A_42 = arith.index_cast %get3A_41 : i32 to index
    %get3A_43 = arith.constant 0 : index
    %get3A_44 = tpu.vector_load %arg10[%get3A_42, %get3A_43] {strides = array<i32>} : memref<16x16xf32, #tpu.memory_space<vmem>>, vector<16xf32>,
    %bitcast_convert_type3A_45 = tpu.bitcast %get3A_44 : vector<16xf32> -> vector<16xi32>
    %shift_right_arithmetic3A_46 = arith.constant 16 : i32
    %shift_right_arithmetic3A_47 = vector.broadcast %shift_right_arithmetic3A_46 : i32 to vector<16xi32>
    %shift_right_arithmetic3A_48 = arith.shrsi %bitcast_convert_type3A_45, %shift_right_arithmetic3A_47 : vector<16xi32>
    %and3A_49 = arith.constant 1 : i32
    %and3A_50 = vector.broadcast %and3A_49 : i32 to vector<16xi32>
    %and3A_51 = arith.andi %shift_right_arithmetic3A_48, %and3A_50 : vector<16xi32>
    %add3A_52 = arith.constant 32767 : i32
    %add3A_53 = vector.broadcast %add3A_52 : i32 to vector<16xi32>
    %add3A_54 = arith.addi %add3A_53, %and3A_51 : vector<16xi32>
    %add3A_55 = arith.addi %bitcast_convert_type3A_45, %add3A_54 : vector<16xi32>
    %and3A_56 = arith.constant -65536 : i32
    %and3A_57 = vector.broadcast %and3A_56 : i32 to vector<16xi32>
    %and3A_58 = arith.andi %add3A_55, %and3A_57 : vector<16xi32>
    %bitcast_convert_type3A_59 = tpu.bitcast %and3A_58 : vector<16xi32> -> vector<16xf32>
    %get3A_60 = arith.constant 3 : i32
    %get3A_61 = arith.index_cast %get3A_60 : i32 to index
    %get3A_62 = arith.constant 0 : index
    %get3A_63 = tpu.vector_load %arg10[%get3A_61, %get3A_62] {strides = array<i32>} : memref<16x16xf32, #tpu.memory_space<vmem>>, vector<16xf32>,
    %bitcast_convert_type3A_64 = tpu.bitcast %get3A_63 : vector<16xf32> -> vector<16xi32>
    %shift_right_arithmetic3A_65 = arith.constant 16 : i32
    %shift_right_arithmetic3A_66 = vector.broadcast %shift_right_arithmetic3A_65 : i32 to vector<16xi32>
    %shift_right_arithmetic3A_67 = arith.shrsi %bitcast_convert_type3A_64, %shift_right_arithmetic3A_66 : vector<16xi32>
    %and3A_68 = arith.constant 1 : i32
    %and3A_69 = vector.broadcast %and3A_68 : i32 to vector<16xi32>
    %and3A_70 = arith.andi %shift_right_arithmetic3A_67, %and3A_69 : vector<16xi32>
    %add3A_71 = arith.constant 32767 : i32
    %add3A_72 = vector.broadcast %add3A_71 : i32 to vector<16xi32>
    %add3A_73 = arith.addi %add3A_72, %and3A_70 : vector<16xi32>
    %add3A_74 = arith.addi %bitcast_convert_type3A_64, %add3A_73 : vector<16xi32>
    %and3A_75 = arith.constant -65536 : i32
    %and3A_76 = vector.broadcast %and3A_75 : i32 to vector<16xi32>
    %and3A_77 = arith.andi %add3A_74, %and3A_76 : vector<16xi32>
    %bitcast_convert_type3A_78 = tpu.bitcast %and3A_77 : vector<16xi32> -> vector<16xf32>
    %get3A_79 = arith.constant 4 : i32
    %get3A_80 = arith.index_cast %get3A_79 : i32 to index
    %get3A_81 = arith.constant 0 : index
    %get3A_82 = tpu.vector_load %arg10[%get3A_80, %get3A_81] {strides = array<i32>} : memref<16x16xf32, #tpu.memory_space<vmem>>, vector<16xf32>,
    %bitcast_convert_type3A_83 = tpu.bitcast %get3A_82 : vector<16xf32> -> vector<16xi32>
    %shift_right_arithmetic3A_84 = arith.constant 16 : i32
    %shift_right_arithmetic3A_85 = vector.broadcast %shift_right_arithmetic3A_84 : i32 to vector<16xi32>
    %shift_right_arithmetic3A_86 = arith.shrsi %bitcast_convert_type3A_83, %shift_right_arithmetic3A_85 : vector<16xi32>
    %and3A_87 = arith.constant 1 : i32
    %and3A_88 = vector.broadcast %and3A_87 : i32 to vector<16xi32>
    %and3A_89 = arith.andi %shift_right_arithmetic3A_86, %and3A_88 : vector<16xi32>
    %add3A_90 = arith.constant 32767 : i32
    %add3A_91 = vector.broadcast %add3A_90 : i32 to vector<16xi32>
    %add3A_92 = arith.addi %add3A_91, %and3A_89 : vector<16xi32>
    %add3A_93 = arith.addi %bitcast_convert_type3A_83, %add3A_92 : vector<16xi32>
    %and3A_94 = arith.constant -65536 : i32
    %and3A_95 = vector.broadcast %and3A_94 : i32 to vector<16xi32>
    %and3A_96 = arith.andi %add3A_93, %and3A_95 : vector<16xi32>
    %bitcast_convert_type3A_97 = tpu.bitcast %and3A_96 : vector<16xi32> -> vector<16xf32>
    %get3A_98 = arith.constant 5 : i32
    %get3A_99 = arith.index_cast %get3A_98 : i32 to index
    %get3A_100 = arith.constant 0 : index
    %get3A_101 = tpu.vector_load %arg10[%get3A_99, %get3A_100] {strides = array<i32>} : memref<16x16xf32, #tpu.memory_space<vmem>>, vector<16xf32>,
    %bitcast_convert_type3A_102 = tpu.bitcast %get3A_101 : vector<16xf32> -> vector<16xi32>
    %shift_right_arithmetic3A_103 = arith.constant 16 : i32
    %shift_right_arithmetic3A_104 = vector.broadcast %shift_right_arithmetic3A_103 : i32 to vector<16xi32>
    %shift_right_arithmetic3A_105 = arith.shrsi %bitcast_convert_type3A_102, %shift_right_arithmetic3A_104 : vector<16xi32>
    %and3A_106 = arith.constant 1 : i32
    %and3A_107 = vector.broadcast %and3A_106 : i32 to vector<16xi32>
    %and3A_108 = arith.andi %shift_right_arithmetic3A_105, %and3A_107 : vector<16xi32>
    %add3A_109 = arith.constant 32767 : i32
    %add3A_110 = vector.broadcast %add3A_109 : i32 to vector<16xi32>
    %add3A_111 = arith.addi %add3A_110, %and3A_108 : vector<16xi32>
    %add3A_112 = arith.addi %bitcast_convert_type3A_102, %add3A_111 : vector<16xi32>
    %and3A_113 = arith.constant -65536 : i32
    %and3A_114 = vector.broadcast %and3A_113 : i32 to vector<16xi32>
    %and3A_115 = arith.andi %add3A_112, %and3A_114 : vector<16xi32>
    %bitcast_convert_type3A_116 = tpu.bitcast %and3A_115 : vector<16xi32> -> vector<16xf32>
    %get3A_117 = arith.constant 6 : i32
    %get3A_118 = arith.index_cast %get3A_117 : i32 to index
    %get3A_119 = arith.constant 0 : index
    %get3A_120 = tpu.vector_load %arg10[%get3A_118, %get3A_119] {strides = array<i32>} : memref<16x16xf32, #tpu.memory_space<vmem>>, vector<16xf32>,
    %bitcast_convert_type3A_121 = tpu.bitcast %get3A_120 : vector<16xf32> -> vector<16xi32>
    %shift_right_arithmetic3A_122 = arith.constant 16 : i32
    %shift_right_arithmetic3A_123 = vector.broadcast %shift_right_arithmetic3A_122 : i32 to vector<16xi32>
    %shift_right_arithmetic3A_124 = arith.shrsi %bitcast_convert_type3A_121, %shift_right_arithmetic3A_123 : vector<16xi32>
    %and3A_125 = arith.constant 1 : i32
    %and3A_126 = vector.broadcast %and3A_125 : i32 to vector<16xi32>
    %and3A_127 = arith.andi %shift_right_arithmetic3A_124, %and3A_126 : vector<16xi32>
    %add3A_128 = arith.constant 32767 : i32
    %add3A_129 = vector.broadcast %add3A_128 : i32 to vector<16xi32>
    %add3A_130 = arith.addi %add3A_129, %and3A_127 : vector<16xi32>
    %add3A_131 = arith.addi %bitcast_convert_type3A_121, %add3A_130 : vector<16xi32>
    %and3A_132 = arith.constant -65536 : i32
    %and3A_133 = vector.broadcast %and3A_132 : i32 to vector<16xi32>
    %and3A_134 = arith.andi %add3A_131, %and3A_133 : vector<16xi32>
    %bitcast_convert_type3A_135 = tpu.bitcast %and3A_134 : vector<16xi32> -> vector<16xf32>
    %get3A_136 = arith.constant 7 : i32
    %get3A_137 = arith.index_cast %get3A_136 : i32 to index
    %get3A_138 = arith.constant 0 : index
    %get3A_139 = tpu.vector_load %arg10[%get3A_137, %get3A_138] {strides = array<i32>} : memref<16x16xf32, #tpu.memory_space<vmem>>, vector<16xf32>,
    %bitcast_convert_type3A_140 = tpu.bitcast %get3A_139 : vector<16xf32> -> vector<16xi32>
    %shift_right_arithmetic3A_141 = arith.constant 16 : i32
    %shift_right_arithmetic3A_142 = vector.broadcast %shift_right_arithmetic3A_141 : i32 to vector<16xi32>
    %shift_right_arithmetic3A_143 = arith.shrsi %bitcast_convert_type3A_140, %shift_right_arithmetic3A_142 : vector<16xi32>
    %and3A_144 = arith.constant 1 : i32
    %and3A_145 = vector.broadcast %and3A_144 : i32 to vector<16xi32>
    %and3A_146 = arith.andi %shift_right_arithmetic3A_143, %and3A_145 : vector<16xi32>
    %add3A_147 = arith.constant 32767 : i32
    %add3A_148 = vector.broadcast %add3A_147 : i32 to vector<16xi32>
    %add3A_149 = arith.addi %add3A_148, %and3A_146 : vector<16xi32>
    %add3A_150 = arith.addi %bitcast_convert_type3A_140, %add3A_149 : vector<16xi32>
    %and3A_151 = arith.constant -65536 : i32
    %and3A_152 = vector.broadcast %and3A_151 : i32 to vector<16xi32>
    %and3A_153 = arith.andi %add3A_150, %and3A_152 : vector<16xi32>
    %bitcast_convert_type3A_154 = tpu.bitcast %and3A_153 : vector<16xi32> -> vector<16xf32>
    %get3A_155 = arith.constant 8 : i32
    %get3A_156 = arith.index_cast %get3A_155 : i32 to index
    %get3A_157 = arith.constant 0 : index
    %get3A_158 = tpu.vector_load %arg10[%get3A_156, %get3A_157] {strides = array<i32>} : memref<16x16xf32, #tpu.memory_space<vmem>>, vector<16xf32>,
    %bitcast_convert_type3A_159 = tpu.bitcast %get3A_158 : vector<16xf32> -> vector<16xi32>
    %shift_right_arithmetic3A_160 = arith.constant 16 : i32
    %shift_right_arithmetic3A_161 = vector.broadcast %shift_right_arithmetic3A_160 : i32 to vector<16xi32>
    %shift_right_arithmetic3A_162 = arith.shrsi %bitcast_convert_type3A_159, %shift_right_arithmetic3A_161 : vector<16xi32>
    %and3A_163 = arith.constant 1 : i32
    %and3A_164 = vector.broadcast %and3A_163 : i32 to vector<16xi32>
    %and3A_165 = arith.andi %shift_right_arithmetic3A_162, %and3A_164 : vector<16xi32>
    %add3A_166 = arith.constant 32767 : i32
    %add3A_167 = vector.broadcast %add3A_166 : i32 to vector<16xi32>
    %add3A_168 = arith.addi %add3A_167, %and3A_165 : vector<16xi32>
    %add3A_169 = arith.addi %bitcast_convert_type3A_159, %add3A_168 : vector<16xi32>
    %and3A_170 = arith.constant -65536 : i32
    %and3A_171 = vector.broadcast %and3A_170 : i32 to vector<16xi32>
    %and3A_172 = arith.andi %add3A_169, %and3A_171 : vector<16xi32>
    %bitcast_convert_type3A_173 = tpu.bitcast %and3A_172 : vector<16xi32> -> vector<16xf32>
    %get3A_174 = arith.constant 9 : i32
    %get3A_175 = arith.index_cast %get3A_174 : i32 to index
    %get3A_176 = arith.constant 0 : index
    %get3A_177 = tpu.vector_load %arg10[%get3A_175, %get3A_176] {strides = array<i32>} : memref<16x16xf32, #tpu.memory_space<vmem>>, vector<16xf32>,
    %bitcast_convert_type3A_178 = tpu.bitcast %get3A_177 : vector<16xf32> -> vector<16xi32>
    %shift_right_arithmetic3A_179 = arith.constant 16 : i32
    %shift_right_arithmetic3A_180 = vector.broadcast %shift_right_arithmetic3A_179 : i32 to vector<16xi32>
    %shift_right_arithmetic3A_181 = arith.shrsi %bitcast_convert_type3A_178, %shift_right_arithmetic3A_180 : vector<16xi32>
    %and3A_182 = arith.constant 1 : i32
    %and3A_183 = vector.broadcast %and3A_182 : i32 to vector<16xi32>
    %and3A_184 = arith.andi %shift_right_arithmetic3A_181, %and3A_183 : vector<16xi32>
    %add3A_185 = arith.constant 32767 : i32
    %add3A_186 = vector.broadcast %add3A_185 : i32 to vector<16xi32>
    %add3A_187 = arith.addi %add3A_186, %and3A_184 : vector<16xi32>
    %add3A_188 = arith.addi %bitcast_convert_type3A_178, %add3A_187 : vector<16xi32>
    %and3A_189 = arith.constant -65536 : i32
    %and3A_190 = vector.broadcast %and3A_189 : i32 to vector<16xi32>
    %and3A_191 = arith.andi %add3A_188, %and3A_190 : vector<16xi32>
    %bitcast_convert_type3A_192 = tpu.bitcast %and3A_191 : vector<16xi32> -> vector<16xf32>
    %get3A_193 = arith.constant 10 : i32
    %get3A_194 = arith.index_cast %get3A_193 : i32 to index
    %get3A_195 = arith.constant 0 : index
    %get3A_196 = tpu.vector_load %arg10[%get3A_194, %get3A_195] {strides = array<i32>} : memref<16x16xf32, #tpu.memory_space<vmem>>, vector<16xf32>,
    %bitcast_convert_type3A_197 = tpu.bitcast %get3A_196 : vector<16xf32> -> vector<16xi32>
    %shift_right_arithmetic3A_198 = arith.constant 16 : i32
    %shift_right_arithmetic3A_199 = vector.broadcast %shift_right_arithmetic3A_198 : i32 to vector<16xi32>
    %shift_right_arithmetic3A_200 = arith.shrsi %bitcast_convert_type3A_197, %shift_right_arithmetic3A_199 : vector<16xi32>
    %and3A_201 = arith.constant 1 : i32
    %and3A_202 = vector.broadcast %and3A_201 : i32 to vector<16xi32>
    %and3A_203 = arith.andi %shift_right_arithmetic3A_200, %and3A_202 : vector<16xi32>
    %add3A_204 = arith.constant 32767 : i32
    %add3A_205 = vector.broadcast %add3A_204 : i32 to vector<16xi32>
    %add3A_206 = arith.addi %add3A_205, %and3A_203 : vector<16xi32>
    %add3A_207 = arith.addi %bitcast_convert_type3A_197, %add3A_206 : vector<16xi32>
    %and3A_208 = arith.constant -65536 : i32
    %and3A_209 = vector.broadcast %and3A_208 : i32 to vector<16xi32>
    %and3A_210 = arith.andi %add3A_207, %and3A_209 : vector<16xi32>
    %bitcast_convert_type3A_211 = tpu.bitcast %and3A_210 : vector<16xi32> -> vector<16xf32>
    %get3A_212 = arith.constant 11 : i32
    %get3A_213 = arith.index_cast %get3A_212 : i32 to index
    %get3A_214 = arith.constant 0 : index
    %get3A_215 = tpu.vector_load %arg10[%get3A_213, %get3A_214] {strides = array<i32>} : memref<16x16xf32, #tpu.memory_space<vmem>>, vector<16xf32>,
    %bitcast_convert_type3A_216 = tpu.bitcast %get3A_215 : vector<16xf32> -> vector<16xi32>
    %shift_right_arithmetic3A_217 = arith.constant 16 : i32
    %shift_right_arithmetic3A_218 = vector.broadcast %shift_right_arithmetic3A_217 : i32 to vector<16xi32>
    %shift_right_arithmetic3A_219 = arith.shrsi %bitcast_convert_type3A_216, %shift_right_arithmetic3A_218 : vector<16xi32>
    %and3A_220 = arith.constant 1 : i32
    %and3A_221 = vector.broadcast %and3A_220 : i32 to vector<16xi32>
    %and3A_222 = arith.andi %shift_right_arithmetic3A_219, %and3A_221 : vector<16xi32>
    %add3A_223 = arith.constant 32767 : i32
    %add3A_224 = vector.broadcast %add3A_223 : i32 to vector<16xi32>
    %add3A_225 = arith.addi %add3A_224, %and3A_222 : vector<16xi32>
    %add3A_226 = arith.addi %bitcast_convert_type3A_216, %add3A_225 : vector<16xi32>
    %and3A_227 = arith.constant -65536 : i32
    %and3A_228 = vector.broadcast %and3A_227 : i32 to vector<16xi32>
    %and3A_229 = arith.andi %add3A_226, %and3A_228 : vector<16xi32>
    %bitcast_convert_type3A_230 = tpu.bitcast %and3A_229 : vector<16xi32> -> vector<16xf32>
    %get3A_231 = arith.constant 12 : i32
    %get3A_232 = arith.index_cast %get3A_231 : i32 to index
    %get3A_233 = arith.constant 0 : index
    %get3A_234 = tpu.vector_load %arg10[%get3A_232, %get3A_233] {strides = array<i32>} : memref<16x16xf32, #tpu.memory_space<vmem>>, vector<16xf32>,
    %get3A_235 = arith.constant 13 : i32
    %get3A_236 = arith.index_cast %get3A_235 : i32 to index
    %get3A_237 = arith.constant 0 : index
    %get3A_238 = tpu.vector_load %arg10[%get3A_236, %get3A_237] {strides = array<i32>} : memref<16x16xf32, #tpu.memory_space<vmem>>, vector<16xf32>,
    %get3A_239 = arith.constant 14 : i32
    %get3A_240 = arith.index_cast %get3A_239 : i32 to index
    %get3A_241 = arith.constant 0 : index
    %get3A_242 = tpu.vector_load %arg10[%get3A_240, %get3A_241] {strides = array<i32>} : memref<16x16xf32, #tpu.memory_space<vmem>>, vector<16xf32>,
    %get3A_243 = arith.constant 15 : i32
    %get3A_244 = arith.index_cast %get3A_243 : i32 to index
    %get3A_245 = arith.constant 0 : index
    %get3A_246 = tpu.vector_load %arg10[%get3A_244, %get3A_245] {strides = array<i32>} : memref<16x16xf32, #tpu.memory_space<vmem>>, vector<16xf32>,
    %scan3A = arith.constant 0 : i32
    %scan3A_247 = arith.constant 0 : i32
    %scan3A_248 = arith.constant 600 : i32
    %scan3A_249 = arith.addi %scan3A_247, %scan3A_248 : i32
    %scan3A_250 = arith.constant 1 : i32
    scf.for %scan3A_264 = %scan3A_247 to %scan3A_249 step %scan3A_250  : i32 {
      %mul3A_265 = arith.constant 16 : i32
      %mul3A_266 = arith.muli %scan3A_264, %mul3A_265 : i32
      %get3A_267 = arith.index_cast %mul3A_266 : i32 to index
      %get3A_268 = tpu.vector_load %arg8[%get3A_267] {strides = array<i32>} : memref<9600xf32, #tpu.memory_space<vmem>>, vector<16xf32>,
      %get3A_269 = arith.index_cast %mul3A_266 : i32 to index
      %get3A_270 = tpu.vector_load %arg9[%get3A_269] {strides = array<i32>} : memref<9600xf32, #tpu.memory_space<vmem>>, vector<16xf32>,
      %sub3A = arith.subf %get3A_268, %get3A_242 : vector<16xf32>
      %div3A = arith.divf %sub3A, %get3A_234 : vector<16xf32>
      %swap3A = arith.index_cast %mul3A_266 : i32 to index
      %swap3A_271 = tpu.vector_load %arg8[%swap3A] {strides = array<i32>} : memref<9600xf32, #tpu.memory_space<vmem>>, vector<16xf32>,
      tpu.vector_store %arg8[%swap3A], %div3A {strides = array<i32>} : memref<9600xf32, #tpu.memory_space<vmem>>, vector<16xf32>,
      %sub3A_272 = arith.subf %get3A_270, %get3A_246 : vector<16xf32>
      %div3A_273 = arith.divf %sub3A_272, %get3A_238 : vector<16xf32>
      %swap3A_274 = arith.index_cast %mul3A_266 : i32 to index
      %swap3A_275 = tpu.vector_load %arg9[%swap3A_274] {strides = array<i32>} : memref<9600xf32, #tpu.memory_space<vmem>>, vector<16xf32>,
      tpu.vector_store %arg9[%swap3A_274], %div3A_273 {strides = array<i32>} : memref<9600xf32, #tpu.memory_space<vmem>>, vector<16xf32>,
      %broadcast_in_dim3A = arith.constant 0 : i32
      %broadcast_in_dim3A_276 = vector.broadcast %broadcast_in_dim3A : i32 to vector<16xi32>
      %swap3A_277 = arith.index_cast %mul3A_266 : i32 to index
      %swap3A_278 = tpu.vector_load %arg12[%swap3A_277] {strides = array<i32>} : memref<9600xi32, #tpu.memory_space<vmem>>, vector<16xi32>,
      tpu.vector_store %arg12[%swap3A_277], %broadcast_in_dim3A_276 {strides = array<i32>} : memref<9600xi32, #tpu.memory_space<vmem>>, vector<16xi32>,
    }
    %scan3A_251 = arith.constant 600 : i32
    %scan3A_252 = arith.constant 0 : i32
    %scan3A_253 = arith.constant 0 : i32
    %scan3A_254 = arith.constant 72 : i32
    %scan3A_255 = arith.addi %scan3A_253, %scan3A_254 : i32
    %scan3A_256 = arith.constant 1 : i32
    scf.for %scan3A_264 = %scan3A_253 to %scan3A_255 step %scan3A_256  : i32 {
      %convert_element_type3A = arith.sitofp %scan3A_264 : i32 to f32
      %mul3A_265 = arith.constant 5.000000e-02 : f32
      %mul3A_266 = arith.mulf %convert_element_type3A, %mul3A_265 : f32
      %add3A_267 = arith.constant 4.000000e-01 : f32
      %add3A_268 = arith.addf %add3A_267, %mul3A_266 : f32
      %broadcast_in_dim3A = arith.constant 0.000000e+00 : f32
      %broadcast_in_dim3A_269 = vector.broadcast %broadcast_in_dim3A : f32 to vector<16xf32>
      %add3A_270 = vector.broadcast %add3A_268 : f32 to vector<16xf32>
      %add3A_271 = arith.addf %broadcast_in_dim3A_269, %add3A_270 : vector<16xf32>
      %bitcast_convert_type3A_272 = tpu.bitcast %add3A_271 : vector<16xf32> -> vector<16xi32>
      %shift_right_arithmetic3A_273 = arith.constant 16 : i32
      %shift_right_arithmetic3A_274 = vector.broadcast %shift_right_arithmetic3A_273 : i32 to vector<16xi32>
      %shift_right_arithmetic3A_275 = arith.shrsi %bitcast_convert_type3A_272, %shift_right_arithmetic3A_274 : vector<16xi32>
      %and3A_276 = arith.constant 1 : i32
      %and3A_277 = vector.broadcast %and3A_276 : i32 to vector<16xi32>
      %and3A_278 = arith.andi %shift_right_arithmetic3A_275, %and3A_277 : vector<16xi32>
      %add3A_279 = arith.constant 32767 : i32
      %add3A_280 = vector.broadcast %add3A_279 : i32 to vector<16xi32>
      %add3A_281 = arith.addi %add3A_280, %and3A_278 : vector<16xi32>
      %add3A_282 = arith.addi %bitcast_convert_type3A_272, %add3A_281 : vector<16xi32>
      %and3A_283 = arith.constant -65536 : i32
      %and3A_284 = vector.broadcast %and3A_283 : i32 to vector<16xi32>
      %and3A_285 = arith.andi %add3A_282, %and3A_284 : vector<16xi32>
      %bitcast_convert_type3A_286 = tpu.bitcast %and3A_285 : vector<16xi32> -> vector<16xf32>
      %mul3A_287 = arith.mulf %bitcast_convert_type3A_59, %bitcast_convert_type3A_286 : vector<16xf32>
      %mul3A_288 = arith.mulf %bitcast_convert_type3A_116, %bitcast_convert_type3A_286 : vector<16xf32>
      %mul3A_289 = arith.mulf %bitcast_convert_type3A_173, %bitcast_convert_type3A_286 : vector<16xf32>
      %add3A_290 = arith.addf %mul3A_289, %bitcast_convert_type3A_230 : vector<16xf32>
      %scan3A_291 = arith.constant 0 : i32
      %scan3A_292 = arith.constant 0 : i32
      %scan3A_293 = arith.constant 600 : i32
      %scan3A_294 = arith.addi %scan3A_292, %scan3A_293 : i32
      %scan3A_295 = arith.constant 1 : i32
      scf.for %scan3A_297 = %scan3A_292 to %scan3A_294 step %scan3A_295  : i32 {
        %mul3A_298 = arith.constant 16 : i32
        %mul3A_299 = arith.muli %scan3A_297, %mul3A_298 : i32
        %get3A_300 = arith.index_cast %mul3A_299 : i32 to index
        %get3A_301 = tpu.vector_load %arg8[%get3A_300] {strides = array<i32>} : memref<9600xf32, #tpu.memory_space<vmem>>, vector<16xf32>,
        %get3A_302 = arith.index_cast %mul3A_299 : i32 to index
        %get3A_303 = tpu.vector_load %arg9[%get3A_302] {strides = array<i32>} : memref<9600xf32, #tpu.memory_space<vmem>>, vector<16xf32>,
        %mul3A_304 = arith.mulf %get3A_301, %add3A_271 : vector<16xf32>
        %bitcast_convert_type3A_305 = tpu.bitcast %mul3A_304 : vector<16xf32> -> vector<16xi32>
        %shift_right_arithmetic3A_306 = arith.constant 16 : i32
        %shift_right_arithmetic3A_307 = vector.broadcast %shift_right_arithmetic3A_306 : i32 to vector<16xi32>
        %shift_right_arithmetic3A_308 = arith.shrsi %bitcast_convert_type3A_305, %shift_right_arithmetic3A_307 : vector<16xi32>
        %and3A_309 = arith.constant 1 : i32
        %and3A_310 = vector.broadcast %and3A_309 : i32 to vector<16xi32>
        %and3A_311 = arith.andi %shift_right_arithmetic3A_308, %and3A_310 : vector<16xi32>
        %add3A_312 = arith.constant 32767 : i32
        %add3A_313 = vector.broadcast %add3A_312 : i32 to vector<16xi32>
        %add3A_314 = arith.addi %add3A_313, %and3A_311 : vector<16xi32>
        %add3A_315 = arith.addi %bitcast_convert_type3A_305, %add3A_314 : vector<16xi32>
        %and3A_316 = arith.constant -65536 : i32
        %and3A_317 = vector.broadcast %and3A_316 : i32 to vector<16xi32>
        %and3A_318 = arith.andi %add3A_315, %and3A_317 : vector<16xi32>
        %bitcast_convert_type3A_319 = tpu.bitcast %and3A_318 : vector<16xi32> -> vector<16xf32>
        %mul3A_320 = arith.mulf %get3A_303, %add3A_271 : vector<16xf32>
        %bitcast_convert_type3A_321 = tpu.bitcast %mul3A_320 : vector<16xf32> -> vector<16xi32>
        %shift_right_arithmetic3A_322 = arith.constant 16 : i32
        %shift_right_arithmetic3A_323 = vector.broadcast %shift_right_arithmetic3A_322 : i32 to vector<16xi32>
        %shift_right_arithmetic3A_324 = arith.shrsi %bitcast_convert_type3A_321, %shift_right_arithmetic3A_323 : vector<16xi32>
        %and3A_325 = arith.constant 1 : i32
        %and3A_326 = vector.broadcast %and3A_325 : i32 to vector<16xi32>
        %and3A_327 = arith.andi %shift_right_arithmetic3A_324, %and3A_326 : vector<16xi32>
        %add3A_328 = arith.constant 32767 : i32
        %add3A_329 = vector.broadcast %add3A_328 : i32 to vector<16xi32>
        %add3A_330 = arith.addi %add3A_329, %and3A_327 : vector<16xi32>
        %add3A_331 = arith.addi %bitcast_convert_type3A_321, %add3A_330 : vector<16xi32>
        %and3A_332 = arith.constant -65536 : i32
        %and3A_333 = vector.broadcast %and3A_332 : i32 to vector<16xi32>
        %and3A_334 = arith.andi %add3A_331, %and3A_333 : vector<16xi32>
        %bitcast_convert_type3A_335 = tpu.bitcast %and3A_334 : vector<16xi32> -> vector<16xf32>
        %mul3A_336 = arith.mulf %bitcast_convert_type3A_21, %bitcast_convert_type3A_319 : vector<16xf32>
        %add3A_337 = arith.addf %mul3A_336, %bitcast_convert_type3A_192 : vector<16xf32>
        %mul3A_338 = arith.mulf %bitcast_convert_type3A_40, %bitcast_convert_type3A_335 : vector<16xf32>
        %add3A_339 = arith.addf %mul3A_338, %mul3A_287 : vector<16xf32>
        %add3A_340 = arith.addf %add3A_337, %add3A_339 : vector<16xf32>
        %mul3A_341 = arith.mulf %bitcast_convert_type3A_97, %bitcast_convert_type3A_335 : vector<16xf32>
        %add3A_342 = arith.addf %mul3A_341, %bitcast_convert_type3A_211 : vector<16xf32>
        %mul3A_343 = arith.mulf %bitcast_convert_type3A_78, %bitcast_convert_type3A_319 : vector<16xf32>
        %add3A_344 = arith.addf %mul3A_343, %mul3A_288 : vector<16xf32>
        %add3A_345 = arith.addf %add3A_342, %add3A_344 : vector<16xf32>
        %mul3A_346 = arith.mulf %bitcast_convert_type3A_135, %bitcast_convert_type3A_319 : vector<16xf32>
        %mul3A_347 = arith.mulf %bitcast_convert_type3A_154, %bitcast_convert_type3A_335 : vector<16xf32>
        %add3A_348 = arith.addf %mul3A_346, %mul3A_347 : vector<16xf32>
        %add3A_349 = arith.addf %add3A_290, %add3A_348 : vector<16xf32>
        %max3A = arith.maximumf %add3A_345, %add3A_349 : vector<16xf32>
        %max3A_350 = arith.maximumf %add3A_340, %max3A : vector<16xf32>
        %min3A = arith.minimumf %add3A_345, %add3A_349 : vector<16xf32>
        %min3A_351 = arith.minimumf %add3A_340, %min3A : vector<16xf32>
        %ge3A = arith.constant -5.000000e-01 : f32
        %ge3A_352 = vector.broadcast %ge3A : f32 to vector<16xf32>
        %ge3A_353 = arith.cmpf oge, %min3A_351, %ge3A_352 : vector<16xf32>
        %lt3A = arith.constant 1.275000e+02 : f32
        %lt3A_354 = vector.broadcast %lt3A : f32 to vector<16xf32>
        %lt3A_355 = arith.cmpf olt, %max3A_350, %lt3A_354 : vector<16xf32>
        %and3A_356 = arith.andi %ge3A_353, %lt3A_355 : vector<16xi1>
        %add3A_357 = arith.constant 0x4B400000 : f32
        %add3A_358 = vector.broadcast %add3A_357 : f32 to vector<16xf32>
        %add3A_359 = arith.addf %add3A_340, %add3A_358 : vector<16xf32>
        %sub3A = arith.constant 0x4B400000 : f32
        %sub3A_360 = vector.broadcast %sub3A : f32 to vector<16xf32>
        %sub3A_361 = arith.subf %add3A_359, %sub3A_360 : vector<16xf32>
        %add3A_362 = arith.constant 0x4B400000 : f32
        %add3A_363 = vector.broadcast %add3A_362 : f32 to vector<16xf32>
        %add3A_364 = arith.addf %add3A_345, %add3A_363 : vector<16xf32>
        %sub3A_365 = arith.constant 0x4B400000 : f32
        %sub3A_366 = vector.broadcast %sub3A_365 : f32 to vector<16xf32>
        %sub3A_367 = arith.subf %add3A_364, %sub3A_366 : vector<16xf32>
        %add3A_368 = arith.constant 0x4B400000 : f32
        %add3A_369 = vector.broadcast %add3A_368 : f32 to vector<16xf32>
        %add3A_370 = arith.addf %add3A_349, %add3A_369 : vector<16xf32>
        %sub3A_371 = arith.constant 0x4B400000 : f32
        %sub3A_372 = vector.broadcast %sub3A_371 : f32 to vector<16xf32>
        %sub3A_373 = arith.subf %add3A_370, %sub3A_372 : vector<16xf32>
        %convert_element_type3A_374 = arith.fptosi %sub3A_361 : vector<16xf32> to vector<16xi32>
        %convert_element_type3A_375 = arith.fptosi %sub3A_367 : vector<16xf32> to vector<16xi32>
        %convert_element_type3A_376 = arith.fptosi %sub3A_373 : vector<16xf32> to vector<16xi32>
        %shift_right_arithmetic3A_377 = arith.constant 5 : i32
        %shift_right_arithmetic3A_378 = vector.broadcast %shift_right_arithmetic3A_377 : i32 to vector<16xi32>
        %shift_right_arithmetic3A_379 = arith.shrsi %convert_element_type3A_376, %shift_right_arithmetic3A_378 : vector<16xi32>
        %shift_left3A = arith.constant 14 : i32
        %shift_left3A_380 = vector.broadcast %shift_left3A : i32 to vector<16xi32>
        %shift_left3A_381 = arith.shli %shift_right_arithmetic3A_379, %shift_left3A_380 : vector<16xi32>
        %shift_left3A_382 = arith.constant 7 : i32
        %shift_left3A_383 = vector.broadcast %shift_left3A_382 : i32 to vector<16xi32>
        %shift_left3A_384 = arith.shli %convert_element_type3A_375, %shift_left3A_383 : vector<16xi32>
        %or3A = arith.ori %shift_left3A_381, %shift_left3A_384 : vector<16xi32>
        %or3A_385 = arith.ori %or3A, %convert_element_type3A_374 : vector<16xi32>
        %and3A_386 = arith.constant 65535 : i32
        %and3A_387 = vector.broadcast %and3A_386 : i32 to vector<16xi32>
        %and3A_388 = arith.andi %or3A_385, %and3A_387 : vector<16xi32>
        %gather3A = tpu.vector_load_idx %arg7[%and3A_388] : memref<65536xi32, #tpu.memory_space<vmem>>[vector<16xi32>], vector<16xi32>,
        %and3A_389 = arith.constant 31 : i32
        %and3A_390 = vector.broadcast %and3A_389 : i32 to vector<16xi32>
        %and3A_391 = arith.andi %convert_element_type3A_376, %and3A_390 : vector<16xi32>
        %shift_right_arithmetic3A_392 = arith.shrsi %gather3A, %and3A_391 : vector<16xi32>
        %and3A_393 = arith.constant 1 : i32
        %and3A_394 = vector.broadcast %and3A_393 : i32 to vector<16xi32>
        %and3A_395 = arith.andi %shift_right_arithmetic3A_392, %and3A_394 : vector<16xi32>
        %get3A_396 = arith.index_cast %mul3A_299 : i32 to index
        %get3A_397 = tpu.vector_load %arg12[%get3A_396] {strides = array<i32>} : memref<9600xi32, #tpu.memory_space<vmem>>, vector<16xi32>,
        %jit3A = arith.constant 0 : i32
        %broadcast_in_dim3A_398 = vector.broadcast %jit3A : i32 to vector<16xi32>
        %select_n3A = arith.select %and3A_356, %and3A_395, %broadcast_in_dim3A_398 : vector<16xi1>, vector<16xi32>
        %or3A_399 = arith.ori %get3A_397, %select_n3A : vector<16xi32>
        %swap3A = arith.index_cast %mul3A_299 : i32 to index
        %swap3A_400 = tpu.vector_load %arg12[%swap3A] {strides = array<i32>} : memref<9600xi32, #tpu.memory_space<vmem>>, vector<16xi32>,
        tpu.vector_store %arg12[%swap3A], %or3A_399 {strides = array<i32>} : memref<9600xi32, #tpu.memory_space<vmem>>, vector<16xi32>,
      }
      %scan3A_296 = arith.constant 600 : i32
    }
    %scan3A_257 = arith.constant 72 : i32
    %scan3A_258 = arith.constant 0 : i32
    %scan3A_259 = arith.constant 0 : i32
    %scan3A_260 = arith.constant 600 : i32
    %scan3A_261 = arith.addi %scan3A_259, %scan3A_260 : i32
    %scan3A_262 = arith.constant 1 : i32
    scf.for %scan3A_264 = %scan3A_259 to %scan3A_261 step %scan3A_262  : i32 {
      %mul3A_265 = arith.constant 16 : i32
      %mul3A_266 = arith.muli %scan3A_264, %mul3A_265 : i32
      %get3A_267 = arith.index_cast %mul3A_266 : i32 to index
      %get3A_268 = tpu.vector_load %arg12[%get3A_267] {strides = array<i32>} : memref<9600xi32, #tpu.memory_space<vmem>>, vector<16xi32>,
      %convert_element_type3A = arith.sitofp %get3A_268 : vector<16xi32> to vector<16xf32>
      %swap3A = arith.index_cast %mul3A_266 : i32 to index
      %swap3A_269 = tpu.vector_load %arg11[%swap3A] {strides = array<i32>} : memref<9600xf32, #tpu.memory_space<vmem>>, vector<16xf32>,
      tpu.vector_store %arg11[%swap3A], %convert_element_type3A {strides = array<i32>} : memref<9600xf32, #tpu.memory_space<vmem>>, vector<16xf32>,
    }
    %scan3A_263 = arith.constant 600 : i32
    "tpu.region"() ({
      %run_scoped3A = tpu.sem_alloc : memref<!tpu.dma_semaphore, #tpu.memory_space<semaphore_mem>>
      %dma_start3A = tpu.memref_slice %arg6[%and3A_1, %mul3A_4] : memref<4x76800xf32, #tpu.memory_space<hbm>> -> memref<1x9600xf32, #tpu.memory_space<hbm>>
      %dma_start3A_264 = tpu.memref_squeeze %dma_start3A : memref<1x9600xf32, #tpu.memory_space<hbm>> -> memref<9600xf32, #tpu.memory_space<hbm>>
      %dma_start3A_265 = tpu.memref_slice %arg6[%and3A_1, %mul3A_4] : memref<4x76800xf32, #tpu.memory_space<hbm>> -> memref<1x9600xf32, #tpu.memory_space<hbm>>
      %dma_start3A_266 = tpu.memref_squeeze %dma_start3A_265 : memref<1x9600xf32, #tpu.memory_space<hbm>> -> memref<9600xf32, #tpu.memory_space<hbm>>
      tpu.enqueue_dma source(%arg11 : memref<9600xf32, #tpu.memory_space<vmem>>) target(%dma_start3A_266 : memref<9600xf32, #tpu.memory_space<hbm>>) target_semaphore(%run_scoped3A : memref<!tpu.dma_semaphore, #tpu.memory_space<semaphore_mem>>)
      %dma_wait3A = tpu.memref_slice %arg6[%and3A_1, %mul3A_4] : memref<4x76800xf32, #tpu.memory_space<hbm>> -> memref<1x9600xf32, #tpu.memory_space<hbm>>
      %dma_wait3A_267 = tpu.memref_squeeze %dma_wait3A : memref<1x9600xf32, #tpu.memory_space<hbm>> -> memref<9600xf32, #tpu.memory_space<hbm>>
      %dma_wait3A_268 = tpu.memref_slice %arg6[%and3A_1, %mul3A_4] : memref<4x76800xf32, #tpu.memory_space<hbm>> -> memref<1x9600xf32, #tpu.memory_space<hbm>>
      %dma_wait3A_269 = tpu.memref_squeeze %dma_wait3A_268 : memref<1x9600xf32, #tpu.memory_space<hbm>> -> memref<9600xf32, #tpu.memory_space<hbm>>
      tpu.wait_dma2 semaphore(%run_scoped3A : memref<!tpu.dma_semaphore, #tpu.memory_space<semaphore_mem>>) src(%arg11 : memref<9600xf32, #tpu.memory_space<vmem>>) dst(%dma_wait3A_269 : memref<9600xf32, #tpu.memory_space<hbm>>)
      tpu.yield
    }) : () -> ()
    return
  }
}

module attributes {stable_mosaic.version = 14 : i64} {
  func.func @_pack_kernel(%arg0: i32, %arg1: memref<1x32x128x128xf32, #tpu.memory_space<vmem>>, %arg2: memref<1x128x128xi32, #tpu.memory_space<vmem>>) attributes {dimension_semantics = [#tpu.dimension_semantics<arbitrary>], iteration_bounds = array<i64: 16>, scalar_prefetch = 0 : i64, scratch_operands = 0 : i64, tpu.core_type = #tpu.core_type<tc>, window_params = [{transform_indices = @transform_0, window_bounds = array<i64: 1, 32, 128, 128>}, {transform_indices = @transform_1, window_bounds = array<i64: 1, 128, 128>}]} {
    %get3A = arith.constant 0 : index
    %get3A_0 = arith.constant 0 : index
    %get3A_1 = arith.constant 0 : index
    %get3A_2 = arith.constant 0 : index
    %get3A_3 = vector.load %arg1[%get3A, %get3A_0, %get3A_1, %get3A_2] : memref<1x32x128x128xf32, #tpu.memory_space<vmem>>, vector<1x32x128x128xf32>
    %get3A_4 = vector.shape_cast %get3A_3 : vector<1x32x128x128xf32> to vector<32x128x128xf32>
    %slice3A = vector.extract_strided_slice %get3A_4 {offsets = [0, 0, 0], sizes = [1, 128, 128], strides = [1, 1, 1]} : vector<32x128x128xf32> to vector<1x128x128xf32>
    %squeeze3A = vector.shape_cast %slice3A : vector<1x128x128xf32> to vector<128x128xf32>
    %slice3A_5 = vector.extract_strided_slice %get3A_4 {offsets = [1, 0, 0], sizes = [1, 128, 128], strides = [1, 1, 1]} : vector<32x128x128xf32> to vector<1x128x128xf32>
    %squeeze3A_6 = vector.shape_cast %slice3A_5 : vector<1x128x128xf32> to vector<128x128xf32>
    %mul3A = arith.constant 2.000000e+00 : f32
    %mul3A_7 = vector.broadcast %mul3A : f32 to vector<128x128xf32>
    %mul3A_8 = arith.mulf %squeeze3A_6, %mul3A_7 : vector<128x128xf32>
    %add3A = arith.addf %squeeze3A, %mul3A_8 : vector<128x128xf32>
    %slice3A_9 = vector.extract_strided_slice %get3A_4 {offsets = [2, 0, 0], sizes = [1, 128, 128], strides = [1, 1, 1]} : vector<32x128x128xf32> to vector<1x128x128xf32>
    %squeeze3A_10 = vector.shape_cast %slice3A_9 : vector<1x128x128xf32> to vector<128x128xf32>
    %mul3A_11 = arith.constant 4.000000e+00 : f32
    %mul3A_12 = vector.broadcast %mul3A_11 : f32 to vector<128x128xf32>
    %mul3A_13 = arith.mulf %squeeze3A_10, %mul3A_12 : vector<128x128xf32>
    %add3A_14 = arith.addf %add3A, %mul3A_13 : vector<128x128xf32>
    %slice3A_15 = vector.extract_strided_slice %get3A_4 {offsets = [3, 0, 0], sizes = [1, 128, 128], strides = [1, 1, 1]} : vector<32x128x128xf32> to vector<1x128x128xf32>
    %squeeze3A_16 = vector.shape_cast %slice3A_15 : vector<1x128x128xf32> to vector<128x128xf32>
    %mul3A_17 = arith.constant 8.000000e+00 : f32
    %mul3A_18 = vector.broadcast %mul3A_17 : f32 to vector<128x128xf32>
    %mul3A_19 = arith.mulf %squeeze3A_16, %mul3A_18 : vector<128x128xf32>
    %add3A_20 = arith.addf %add3A_14, %mul3A_19 : vector<128x128xf32>
    %slice3A_21 = vector.extract_strided_slice %get3A_4 {offsets = [4, 0, 0], sizes = [1, 128, 128], strides = [1, 1, 1]} : vector<32x128x128xf32> to vector<1x128x128xf32>
    %squeeze3A_22 = vector.shape_cast %slice3A_21 : vector<1x128x128xf32> to vector<128x128xf32>
    %mul3A_23 = arith.constant 1.600000e+01 : f32
    %mul3A_24 = vector.broadcast %mul3A_23 : f32 to vector<128x128xf32>
    %mul3A_25 = arith.mulf %squeeze3A_22, %mul3A_24 : vector<128x128xf32>
    %add3A_26 = arith.addf %add3A_20, %mul3A_25 : vector<128x128xf32>
    %slice3A_27 = vector.extract_strided_slice %get3A_4 {offsets = [5, 0, 0], sizes = [1, 128, 128], strides = [1, 1, 1]} : vector<32x128x128xf32> to vector<1x128x128xf32>
    %squeeze3A_28 = vector.shape_cast %slice3A_27 : vector<1x128x128xf32> to vector<128x128xf32>
    %mul3A_29 = arith.constant 3.200000e+01 : f32
    %mul3A_30 = vector.broadcast %mul3A_29 : f32 to vector<128x128xf32>
    %mul3A_31 = arith.mulf %squeeze3A_28, %mul3A_30 : vector<128x128xf32>
    %add3A_32 = arith.addf %add3A_26, %mul3A_31 : vector<128x128xf32>
    %slice3A_33 = vector.extract_strided_slice %get3A_4 {offsets = [6, 0, 0], sizes = [1, 128, 128], strides = [1, 1, 1]} : vector<32x128x128xf32> to vector<1x128x128xf32>
    %squeeze3A_34 = vector.shape_cast %slice3A_33 : vector<1x128x128xf32> to vector<128x128xf32>
    %mul3A_35 = arith.constant 6.400000e+01 : f32
    %mul3A_36 = vector.broadcast %mul3A_35 : f32 to vector<128x128xf32>
    %mul3A_37 = arith.mulf %squeeze3A_34, %mul3A_36 : vector<128x128xf32>
    %add3A_38 = arith.addf %add3A_32, %mul3A_37 : vector<128x128xf32>
    %slice3A_39 = vector.extract_strided_slice %get3A_4 {offsets = [7, 0, 0], sizes = [1, 128, 128], strides = [1, 1, 1]} : vector<32x128x128xf32> to vector<1x128x128xf32>
    %squeeze3A_40 = vector.shape_cast %slice3A_39 : vector<1x128x128xf32> to vector<128x128xf32>
    %mul3A_41 = arith.constant 1.280000e+02 : f32
    %mul3A_42 = vector.broadcast %mul3A_41 : f32 to vector<128x128xf32>
    %mul3A_43 = arith.mulf %squeeze3A_40, %mul3A_42 : vector<128x128xf32>
    %add3A_44 = arith.addf %add3A_38, %mul3A_43 : vector<128x128xf32>
    %slice3A_45 = vector.extract_strided_slice %get3A_4 {offsets = [8, 0, 0], sizes = [1, 128, 128], strides = [1, 1, 1]} : vector<32x128x128xf32> to vector<1x128x128xf32>
    %squeeze3A_46 = vector.shape_cast %slice3A_45 : vector<1x128x128xf32> to vector<128x128xf32>
    %mul3A_47 = arith.constant 2.560000e+02 : f32
    %mul3A_48 = vector.broadcast %mul3A_47 : f32 to vector<128x128xf32>
    %mul3A_49 = arith.mulf %squeeze3A_46, %mul3A_48 : vector<128x128xf32>
    %add3A_50 = arith.addf %add3A_44, %mul3A_49 : vector<128x128xf32>
    %slice3A_51 = vector.extract_strided_slice %get3A_4 {offsets = [9, 0, 0], sizes = [1, 128, 128], strides = [1, 1, 1]} : vector<32x128x128xf32> to vector<1x128x128xf32>
    %squeeze3A_52 = vector.shape_cast %slice3A_51 : vector<1x128x128xf32> to vector<128x128xf32>
    %mul3A_53 = arith.constant 5.120000e+02 : f32
    %mul3A_54 = vector.broadcast %mul3A_53 : f32 to vector<128x128xf32>
    %mul3A_55 = arith.mulf %squeeze3A_52, %mul3A_54 : vector<128x128xf32>
    %add3A_56 = arith.addf %add3A_50, %mul3A_55 : vector<128x128xf32>
    %slice3A_57 = vector.extract_strided_slice %get3A_4 {offsets = [10, 0, 0], sizes = [1, 128, 128], strides = [1, 1, 1]} : vector<32x128x128xf32> to vector<1x128x128xf32>
    %squeeze3A_58 = vector.shape_cast %slice3A_57 : vector<1x128x128xf32> to vector<128x128xf32>
    %mul3A_59 = arith.constant 1.024000e+03 : f32
    %mul3A_60 = vector.broadcast %mul3A_59 : f32 to vector<128x128xf32>
    %mul3A_61 = arith.mulf %squeeze3A_58, %mul3A_60 : vector<128x128xf32>
    %add3A_62 = arith.addf %add3A_56, %mul3A_61 : vector<128x128xf32>
    %slice3A_63 = vector.extract_strided_slice %get3A_4 {offsets = [11, 0, 0], sizes = [1, 128, 128], strides = [1, 1, 1]} : vector<32x128x128xf32> to vector<1x128x128xf32>
    %squeeze3A_64 = vector.shape_cast %slice3A_63 : vector<1x128x128xf32> to vector<128x128xf32>
    %mul3A_65 = arith.constant 2.048000e+03 : f32
    %mul3A_66 = vector.broadcast %mul3A_65 : f32 to vector<128x128xf32>
    %mul3A_67 = arith.mulf %squeeze3A_64, %mul3A_66 : vector<128x128xf32>
    %add3A_68 = arith.addf %add3A_62, %mul3A_67 : vector<128x128xf32>
    %slice3A_69 = vector.extract_strided_slice %get3A_4 {offsets = [12, 0, 0], sizes = [1, 128, 128], strides = [1, 1, 1]} : vector<32x128x128xf32> to vector<1x128x128xf32>
    %squeeze3A_70 = vector.shape_cast %slice3A_69 : vector<1x128x128xf32> to vector<128x128xf32>
    %mul3A_71 = arith.constant 4.096000e+03 : f32
    %mul3A_72 = vector.broadcast %mul3A_71 : f32 to vector<128x128xf32>
    %mul3A_73 = arith.mulf %squeeze3A_70, %mul3A_72 : vector<128x128xf32>
    %add3A_74 = arith.addf %add3A_68, %mul3A_73 : vector<128x128xf32>
    %slice3A_75 = vector.extract_strided_slice %get3A_4 {offsets = [13, 0, 0], sizes = [1, 128, 128], strides = [1, 1, 1]} : vector<32x128x128xf32> to vector<1x128x128xf32>
    %squeeze3A_76 = vector.shape_cast %slice3A_75 : vector<1x128x128xf32> to vector<128x128xf32>
    %mul3A_77 = arith.constant 8.192000e+03 : f32
    %mul3A_78 = vector.broadcast %mul3A_77 : f32 to vector<128x128xf32>
    %mul3A_79 = arith.mulf %squeeze3A_76, %mul3A_78 : vector<128x128xf32>
    %add3A_80 = arith.addf %add3A_74, %mul3A_79 : vector<128x128xf32>
    %slice3A_81 = vector.extract_strided_slice %get3A_4 {offsets = [14, 0, 0], sizes = [1, 128, 128], strides = [1, 1, 1]} : vector<32x128x128xf32> to vector<1x128x128xf32>
    %squeeze3A_82 = vector.shape_cast %slice3A_81 : vector<1x128x128xf32> to vector<128x128xf32>
    %mul3A_83 = arith.constant 1.638400e+04 : f32
    %mul3A_84 = vector.broadcast %mul3A_83 : f32 to vector<128x128xf32>
    %mul3A_85 = arith.mulf %squeeze3A_82, %mul3A_84 : vector<128x128xf32>
    %add3A_86 = arith.addf %add3A_80, %mul3A_85 : vector<128x128xf32>
    %slice3A_87 = vector.extract_strided_slice %get3A_4 {offsets = [15, 0, 0], sizes = [1, 128, 128], strides = [1, 1, 1]} : vector<32x128x128xf32> to vector<1x128x128xf32>
    %squeeze3A_88 = vector.shape_cast %slice3A_87 : vector<1x128x128xf32> to vector<128x128xf32>
    %mul3A_89 = arith.constant 3.276800e+04 : f32
    %mul3A_90 = vector.broadcast %mul3A_89 : f32 to vector<128x128xf32>
    %mul3A_91 = arith.mulf %squeeze3A_88, %mul3A_90 : vector<128x128xf32>
    %add3A_92 = arith.addf %add3A_86, %mul3A_91 : vector<128x128xf32>
    %slice3A_93 = vector.extract_strided_slice %get3A_4 {offsets = [16, 0, 0], sizes = [1, 128, 128], strides = [1, 1, 1]} : vector<32x128x128xf32> to vector<1x128x128xf32>
    %squeeze3A_94 = vector.shape_cast %slice3A_93 : vector<1x128x128xf32> to vector<128x128xf32>
    %slice3A_95 = vector.extract_strided_slice %get3A_4 {offsets = [17, 0, 0], sizes = [1, 128, 128], strides = [1, 1, 1]} : vector<32x128x128xf32> to vector<1x128x128xf32>
    %squeeze3A_96 = vector.shape_cast %slice3A_95 : vector<1x128x128xf32> to vector<128x128xf32>
    %mul3A_97 = arith.constant 2.000000e+00 : f32
    %mul3A_98 = vector.broadcast %mul3A_97 : f32 to vector<128x128xf32>
    %mul3A_99 = arith.mulf %squeeze3A_96, %mul3A_98 : vector<128x128xf32>
    %add3A_100 = arith.addf %squeeze3A_94, %mul3A_99 : vector<128x128xf32>
    %slice3A_101 = vector.extract_strided_slice %get3A_4 {offsets = [18, 0, 0], sizes = [1, 128, 128], strides = [1, 1, 1]} : vector<32x128x128xf32> to vector<1x128x128xf32>
    %squeeze3A_102 = vector.shape_cast %slice3A_101 : vector<1x128x128xf32> to vector<128x128xf32>
    %mul3A_103 = arith.constant 4.000000e+00 : f32
    %mul3A_104 = vector.broadcast %mul3A_103 : f32 to vector<128x128xf32>
    %mul3A_105 = arith.mulf %squeeze3A_102, %mul3A_104 : vector<128x128xf32>
    %add3A_106 = arith.addf %add3A_100, %mul3A_105 : vector<128x128xf32>
    %slice3A_107 = vector.extract_strided_slice %get3A_4 {offsets = [19, 0, 0], sizes = [1, 128, 128], strides = [1, 1, 1]} : vector<32x128x128xf32> to vector<1x128x128xf32>
    %squeeze3A_108 = vector.shape_cast %slice3A_107 : vector<1x128x128xf32> to vector<128x128xf32>
    %mul3A_109 = arith.constant 8.000000e+00 : f32
    %mul3A_110 = vector.broadcast %mul3A_109 : f32 to vector<128x128xf32>
    %mul3A_111 = arith.mulf %squeeze3A_108, %mul3A_110 : vector<128x128xf32>
    %add3A_112 = arith.addf %add3A_106, %mul3A_111 : vector<128x128xf32>
    %slice3A_113 = vector.extract_strided_slice %get3A_4 {offsets = [20, 0, 0], sizes = [1, 128, 128], strides = [1, 1, 1]} : vector<32x128x128xf32> to vector<1x128x128xf32>
    %squeeze3A_114 = vector.shape_cast %slice3A_113 : vector<1x128x128xf32> to vector<128x128xf32>
    %mul3A_115 = arith.constant 1.600000e+01 : f32
    %mul3A_116 = vector.broadcast %mul3A_115 : f32 to vector<128x128xf32>
    %mul3A_117 = arith.mulf %squeeze3A_114, %mul3A_116 : vector<128x128xf32>
    %add3A_118 = arith.addf %add3A_112, %mul3A_117 : vector<128x128xf32>
    %slice3A_119 = vector.extract_strided_slice %get3A_4 {offsets = [21, 0, 0], sizes = [1, 128, 128], strides = [1, 1, 1]} : vector<32x128x128xf32> to vector<1x128x128xf32>
    %squeeze3A_120 = vector.shape_cast %slice3A_119 : vector<1x128x128xf32> to vector<128x128xf32>
    %mul3A_121 = arith.constant 3.200000e+01 : f32
    %mul3A_122 = vector.broadcast %mul3A_121 : f32 to vector<128x128xf32>
    %mul3A_123 = arith.mulf %squeeze3A_120, %mul3A_122 : vector<128x128xf32>
    %add3A_124 = arith.addf %add3A_118, %mul3A_123 : vector<128x128xf32>
    %slice3A_125 = vector.extract_strided_slice %get3A_4 {offsets = [22, 0, 0], sizes = [1, 128, 128], strides = [1, 1, 1]} : vector<32x128x128xf32> to vector<1x128x128xf32>
    %squeeze3A_126 = vector.shape_cast %slice3A_125 : vector<1x128x128xf32> to vector<128x128xf32>
    %mul3A_127 = arith.constant 6.400000e+01 : f32
    %mul3A_128 = vector.broadcast %mul3A_127 : f32 to vector<128x128xf32>
    %mul3A_129 = arith.mulf %squeeze3A_126, %mul3A_128 : vector<128x128xf32>
    %add3A_130 = arith.addf %add3A_124, %mul3A_129 : vector<128x128xf32>
    %slice3A_131 = vector.extract_strided_slice %get3A_4 {offsets = [23, 0, 0], sizes = [1, 128, 128], strides = [1, 1, 1]} : vector<32x128x128xf32> to vector<1x128x128xf32>
    %squeeze3A_132 = vector.shape_cast %slice3A_131 : vector<1x128x128xf32> to vector<128x128xf32>
    %mul3A_133 = arith.constant 1.280000e+02 : f32
    %mul3A_134 = vector.broadcast %mul3A_133 : f32 to vector<128x128xf32>
    %mul3A_135 = arith.mulf %squeeze3A_132, %mul3A_134 : vector<128x128xf32>
    %add3A_136 = arith.addf %add3A_130, %mul3A_135 : vector<128x128xf32>
    %slice3A_137 = vector.extract_strided_slice %get3A_4 {offsets = [24, 0, 0], sizes = [1, 128, 128], strides = [1, 1, 1]} : vector<32x128x128xf32> to vector<1x128x128xf32>
    %squeeze3A_138 = vector.shape_cast %slice3A_137 : vector<1x128x128xf32> to vector<128x128xf32>
    %mul3A_139 = arith.constant 2.560000e+02 : f32
    %mul3A_140 = vector.broadcast %mul3A_139 : f32 to vector<128x128xf32>
    %mul3A_141 = arith.mulf %squeeze3A_138, %mul3A_140 : vector<128x128xf32>
    %add3A_142 = arith.addf %add3A_136, %mul3A_141 : vector<128x128xf32>
    %slice3A_143 = vector.extract_strided_slice %get3A_4 {offsets = [25, 0, 0], sizes = [1, 128, 128], strides = [1, 1, 1]} : vector<32x128x128xf32> to vector<1x128x128xf32>
    %squeeze3A_144 = vector.shape_cast %slice3A_143 : vector<1x128x128xf32> to vector<128x128xf32>
    %mul3A_145 = arith.constant 5.120000e+02 : f32
    %mul3A_146 = vector.broadcast %mul3A_145 : f32 to vector<128x128xf32>
    %mul3A_147 = arith.mulf %squeeze3A_144, %mul3A_146 : vector<128x128xf32>
    %add3A_148 = arith.addf %add3A_142, %mul3A_147 : vector<128x128xf32>
    %slice3A_149 = vector.extract_strided_slice %get3A_4 {offsets = [26, 0, 0], sizes = [1, 128, 128], strides = [1, 1, 1]} : vector<32x128x128xf32> to vector<1x128x128xf32>
    %squeeze3A_150 = vector.shape_cast %slice3A_149 : vector<1x128x128xf32> to vector<128x128xf32>
    %mul3A_151 = arith.constant 1.024000e+03 : f32
    %mul3A_152 = vector.broadcast %mul3A_151 : f32 to vector<128x128xf32>
    %mul3A_153 = arith.mulf %squeeze3A_150, %mul3A_152 : vector<128x128xf32>
    %add3A_154 = arith.addf %add3A_148, %mul3A_153 : vector<128x128xf32>
    %slice3A_155 = vector.extract_strided_slice %get3A_4 {offsets = [27, 0, 0], sizes = [1, 128, 128], strides = [1, 1, 1]} : vector<32x128x128xf32> to vector<1x128x128xf32>
    %squeeze3A_156 = vector.shape_cast %slice3A_155 : vector<1x128x128xf32> to vector<128x128xf32>
    %mul3A_157 = arith.constant 2.048000e+03 : f32
    %mul3A_158 = vector.broadcast %mul3A_157 : f32 to vector<128x128xf32>
    %mul3A_159 = arith.mulf %squeeze3A_156, %mul3A_158 : vector<128x128xf32>
    %add3A_160 = arith.addf %add3A_154, %mul3A_159 : vector<128x128xf32>
    %slice3A_161 = vector.extract_strided_slice %get3A_4 {offsets = [28, 0, 0], sizes = [1, 128, 128], strides = [1, 1, 1]} : vector<32x128x128xf32> to vector<1x128x128xf32>
    %squeeze3A_162 = vector.shape_cast %slice3A_161 : vector<1x128x128xf32> to vector<128x128xf32>
    %mul3A_163 = arith.constant 4.096000e+03 : f32
    %mul3A_164 = vector.broadcast %mul3A_163 : f32 to vector<128x128xf32>
    %mul3A_165 = arith.mulf %squeeze3A_162, %mul3A_164 : vector<128x128xf32>
    %add3A_166 = arith.addf %add3A_160, %mul3A_165 : vector<128x128xf32>
    %slice3A_167 = vector.extract_strided_slice %get3A_4 {offsets = [29, 0, 0], sizes = [1, 128, 128], strides = [1, 1, 1]} : vector<32x128x128xf32> to vector<1x128x128xf32>
    %squeeze3A_168 = vector.shape_cast %slice3A_167 : vector<1x128x128xf32> to vector<128x128xf32>
    %mul3A_169 = arith.constant 8.192000e+03 : f32
    %mul3A_170 = vector.broadcast %mul3A_169 : f32 to vector<128x128xf32>
    %mul3A_171 = arith.mulf %squeeze3A_168, %mul3A_170 : vector<128x128xf32>
    %add3A_172 = arith.addf %add3A_166, %mul3A_171 : vector<128x128xf32>
    %slice3A_173 = vector.extract_strided_slice %get3A_4 {offsets = [30, 0, 0], sizes = [1, 128, 128], strides = [1, 1, 1]} : vector<32x128x128xf32> to vector<1x128x128xf32>
    %squeeze3A_174 = vector.shape_cast %slice3A_173 : vector<1x128x128xf32> to vector<128x128xf32>
    %mul3A_175 = arith.constant 1.638400e+04 : f32
    %mul3A_176 = vector.broadcast %mul3A_175 : f32 to vector<128x128xf32>
    %mul3A_177 = arith.mulf %squeeze3A_174, %mul3A_176 : vector<128x128xf32>
    %add3A_178 = arith.addf %add3A_172, %mul3A_177 : vector<128x128xf32>
    %slice3A_179 = vector.extract_strided_slice %get3A_4 {offsets = [31, 0, 0], sizes = [1, 128, 128], strides = [1, 1, 1]} : vector<32x128x128xf32> to vector<1x128x128xf32>
    %squeeze3A_180 = vector.shape_cast %slice3A_179 : vector<1x128x128xf32> to vector<128x128xf32>
    %mul3A_181 = arith.constant 3.276800e+04 : f32
    %mul3A_182 = vector.broadcast %mul3A_181 : f32 to vector<128x128xf32>
    %mul3A_183 = arith.mulf %squeeze3A_180, %mul3A_182 : vector<128x128xf32>
    %add3A_184 = arith.addf %add3A_178, %mul3A_183 : vector<128x128xf32>
    %convert_element_type3A = arith.fptosi %add3A_92 : vector<128x128xf32> to vector<128x128xi32>
    %convert_element_type3A_185 = arith.fptosi %add3A_184 : vector<128x128xf32> to vector<128x128xi32>
    %shift_left3A = arith.constant 16 : i32
    %shift_left3A_186 = vector.broadcast %shift_left3A : i32 to vector<128x128xi32>
    %shift_left3A_187 = arith.shli %convert_element_type3A_185, %shift_left3A_186 : vector<128x128xi32>
    %or3A = arith.ori %convert_element_type3A, %shift_left3A_187 : vector<128x128xi32>
    %swap3A = arith.constant 0 : index
    %swap3A_188 = arith.constant 0 : index
    %swap3A_189 = arith.constant 0 : index
    %swap3A_190 = vector.load %arg2[%swap3A, %swap3A_188, %swap3A_189] : memref<1x128x128xi32, #tpu.memory_space<vmem>>, vector<1x128x128xi32>
    %swap3A_191 = vector.shape_cast %swap3A_190 : vector<1x128x128xi32> to vector<128x128xi32>
    %swap3A_192 = vector.shape_cast %or3A : vector<128x128xi32> to vector<1x128x128xi32>
    tpu.vector_store %arg2[%swap3A, %swap3A_188, %swap3A_189], %swap3A_192 {strides = array<i32>} : memref<1x128x128xi32, #tpu.memory_space<vmem>>, vector<1x128x128xi32>,
    return
  }
  func.func @transform_0(%arg0: i32) -> (i32, i32, i32, i32) {
    %c0_i32 = arith.constant 0 : i32
    %c0_i32_0 = arith.constant 0 : i32
    %c0_i32_1 = arith.constant 0 : i32
    %c0_i32_2 = arith.constant 0 : i32
    return %arg0, %c0_i32, %c0_i32_0, %c0_i32_1 : i32, i32, i32, i32
  }
  func.func @transform_1(%arg0: i32) -> (i32, i32, i32) {
    %c0_i32 = arith.constant 0 : i32
    %c0_i32_0 = arith.constant 0 : i32
    %c0_i32_1 = arith.constant 0 : i32
    return %arg0, %c0_i32, %c0_i32_0 : i32, i32, i32
  }
}

</mosaic_0001>

<sc_bundles>
// kernel: kernel.4.cloned.1.call-start
scs
__scs_entry_jumppad:
0x0: {  	(pc) =	sbr.rel $0x88, $3  }
0x1: {  	(tag) =	ssettag $0x0;
	lr =	simm.s32 $0x1  }
0x2: {  	[smem:$0x3F9E] =	sst lr;
	_ =	strace $0xD0000000  }
0x3: {  	_ = 	snop  }
0x4: {  	_ = 	snop  }
0x5: {  	_ = 	snop  }
0x6: {  	_ = 	snop  }
0x7: {  	_ = 	snop  }
__scs_overlays_trampoline_lowered:
0x8: {  	[smem:$0x3FAD] =	sst s0  }
0x9: {  	[smem:$0x3FAE] =	sst s1  }
0xa: {  	[smem:$0x3FAF] =	sst s2  }
0xb: {  	[smem:$0x3FB0] =	sst s3  }
0xc: {  	[smem:$0x3FB1] =	sst s4  }
0xd: {  	[smem:$0x3FB2] =	sst s5  }
0xe: {  	[smem:$0x3FB3] =	sst s6  }
0xf: {  	[smem:$0x3FB4] =	sst s7  }
0x10: {  	[smem:$0x3FB5] =	sst s8  }
0x11: {  	[smem:$0x3FB6] =	sst s9;
	s0 =	simm.s32 @!p0 $0x0  }
0x12: {  	s1 =	sld [smem:$0x3F9C];
	s0 =	simm.s32 @p0 $0x1  }
0x13: {  	[smem:$0x3FB7] =	sst s0;
	s0 =	simm.s32 @!p1 $0x0  }
0x14: {  	s2 =	sld [smem:$0x3F9B];
	s0 =	simm.s32 @p1 $0x1  }
0x15: {  	[smem:$0x3FB8] =	sst s0;
	s0 =	simm.s32 @!p2 $0x0  }
0x16: {  	s3 =	sld [smem:$0x3FDB];
	s0 =	simm.s32 @p2 $0x1  }
0x17: {  	s4 =	simm.s32 $0x1BF5;
	[smem:$0x3FBA] =	sst s0  }
0x18: {  	s0 =	sld [smem:$0x3F9D];
	_ =	swait.ge [sflag:s4], $0x0  }
0x19: {  	s7 =	sld [smem:$0x3F9E]  }
0x1a: {  	s8 =	sadd.s32 $0xFFFFE003, lr  }
0x1b: {  	s9 =	sadd.s32 $0xFFFFFEF7, lr;
	s5 =	simm.s32 $0xFFFFFFFF;
	p2 =	slt.u32 s8, $0xFFFFF086  }
0x1c: {  	p1 =	slt.u32 s9, $0xF7A;
	s5 =	simm.s32 @!p2 $0x0  }
0x1d: {  	s5 =	simm.s32 @p1 $0x1;
	p0 =	seq.s32 s7, s2  }
0x1e: {  	s7 =	smul.u32 @!p0 $0xF7A, s2;
	p2 =	seq.s32 @!p0 s5, $0x0  }
0x1f: {  	s9 =	smul.u32 $0xF7A, s1;
	s8 =	simm.s32 @!p0 $0x1BF5;
	p2 =	por !p2, p0  }
0x20: {  	[sflag:s8] =	ssyncset.s32 @!p0 $0xFFFFF086;
	s6 =	sadd.s32 @!p0 s3, s7;
	s7 =	simm.s32 @!p0 $0x108  }
0x21: {  	s3 =	sadd.s32 s3, s9;
	s6 =	sadd.s32 @!p0 $0x88, s6;
	s7 =	simm.s32 @p2 $0x1082  }
0x22: {  	[simem:s7], [sflag:s8] =	dma.local @!p0 [hbm:s6], $0xF7A  }
0x23: {  	s9 =	sor.u32 $0xD0000000, s2;
	s6 =	simm.s32 $0x108;
	_ =	swait.ge @!p0 [sflag:s8], $0x0  }
0x24: {  	s3 =	sadd.s32 $0x88, s3;
	s6 =	simm.s32 @!p1 $0x1082;
	[sflag:s4] =	ssyncset.s32 $0xFFFFF086  }
0x25: {  	[simem:s6], [sflag:s4] =	dma.local [hbm:s3], $0xF7A  }
0x26: {  	[smem:$0x3F9E] =	sst s1;
	(tag) =	ssettag s2;
	_ =	strace s9  }
0x27: {  	s1 =	sld [smem:$0x3FAE]  }
0x28: {  	s2 =	sld [smem:$0x3FAF]  }
0x29: {  	s4 =	sld [smem:$0x3FB1]  }
0x2a: {  	p0 =	seq.s32 s5, $0x0;
	s5 =	sld [smem:$0x3FB2]  }
0x2b: {  	s6 =	sld [smem:$0x3FB3]  }
0x2c: {  	s7 =	sld [smem:$0x3FB4]  }
0x2d: {  	s3 =	simm.s32 $0x108;
	s8 =	sld [smem:$0x3FB5]  }
0x2e: {  	s3 =	simm.s32 @!p0 $0x1082;
	s9 =	sld [smem:$0x3FB6]  }
0x2f: {  	lr =	sadd.s32 s0, s3;
	s0 =	sld [smem:$0x3FAD]  }
0x30: {  	s3 =	sld [smem:$0x3FB0]  }
0x31: {  	[smem:$0x3FB9] =	sst s10  }
0x32: {  	s10 =	sld [smem:$0x3FB7];
	_ =	sdelay $0x3  }
0x33: {  	p0 =	seq.s32 s10, $0x1;
	s10 =	sld [smem:$0x3FB9];
	_ =	sdelay $0x3  }
0x34: {  	[smem:$0x3FB9] =	sst s10  }
0x35: {  	s10 =	sld [smem:$0x3FB8];
	_ =	sdelay $0x3  }
0x36: {  	p1 =	seq.s32 s10, $0x1;
	s10 =	sld [smem:$0x3FB9];
	_ =	sdelay $0x3  }
0x37: {  	[smem:$0x3FB9] =	sst s10  }
0x38: {  	s10 =	sld [smem:$0x3FBA]  }
0x39: {  	_ = 	snop;
	(pc) =	sbr.ind lr, $3  }
0x3a: {  	_ = 	snop  }
0x3b: {  	_ = 	snop  }
0x3c: {  	p2 =	seq.s32 s10, $0x1;
	s10 =	sld [smem:$0x3FB9]  }
0x3d: {  	_ =	shalt  }
0x3e: {  	_ =	shalt  }
0x3f: {  	_ =	shalt  }
0x40: {  	_ =	shalt  }
0x41: {  	_ =	shalt  }
0x42: {  	_ =	shalt  }
0x43: {  	_ =	shalt  }
0x44: {  	_ =	shalt  }
0x45: {  	_ =	shalt  }
0x46: {  	_ =	shalt  }
0x47: {  	_ =	shalt  }
0x48: {  	_ =	shalt  }
0x49: {  	_ =	shalt  }
0x4a: {  	_ =	shalt  }
0x4b: {  	_ =	shalt  }
0x4c: {  	_ =	shalt  }
0x4d: {  	_ =	shalt  }
0x4e: {  	_ =	shalt  }
0x4f: {  	_ =	shalt  }
0x50: {  	_ =	shalt  }
0x51: {  	_ =	shalt  }
0x52: {  	_ =	shalt  }
0x53: {  	_ =	shalt  }
0x54: {  	_ =	shalt  }
0x55: {  	_ =	shalt  }
0x56: {  	_ =	shalt  }
0x57: {  	_ =	shalt  }
0x58: {  	_ =	shalt  }
0x59: {  	_ =	shalt  }
0x5a: {  	_ =	shalt  }
0x5b: {  	_ =	shalt  }
0x5c: {  	_ =	shalt  }
0x5d: {  	_ =	shalt  }
0x5e: {  	_ =	shalt  }
0x5f: {  	_ =	shalt  }
0x60: {  	_ =	shalt  }
0x61: {  	_ =	shalt  }
0x62: {  	_ =	shalt  }
0x63: {  	_ =	shalt  }
0x64: {  	_ =	shalt  }
0x65: {  	_ =	shalt  }
0x66: {  	_ =	shalt  }
0x67: {  	_ =	shalt  }
0x68: {  	_ =	shalt  }
0x69: {  	_ =	shalt  }
0x6a: {  	_ =	shalt  }
0x6b: {  	_ =	shalt  }
0x6c: {  	_ =	shalt  }
0x6d: {  	_ =	shalt  }
0x6e: {  	_ =	shalt  }
0x6f: {  	_ =	shalt  }
0x70: {  	_ =	shalt  }
0x71: {  	_ =	shalt  }
0x72: {  	_ =	shalt  }
0x73: {  	_ =	shalt  }
0x74: {  	_ =	shalt  }
0x75: {  	_ =	shalt  }
0x76: {  	_ =	shalt  }
0x77: {  	_ =	shalt  }
0x78: {  	_ =	shalt  }
0x79: {  	_ =	shalt  }
0x7a: {  	_ =	shalt  }
0x7b: {  	_ =	shalt  }
0x7c: {  	_ =	shalt  }
0x7d: {  	_ =	shalt  }
0x7e: {  	_ =	shalt  }
0x7f: {  	_ =	shalt  }
0x80: {  	_ =	shalt  }
0x81: {  	_ =	shalt  }
0x82: {  	_ =	shalt  }
0x83: {  	_ =	shalt  }
0x84: {  	_ =	shalt  }
0x85: {  	_ =	shalt  }
0x86: {  	_ =	shalt  }
0x87: {  	_ =	shalt  }
.Lfunc_end0:
.L_simem_size_0:
called_computation_lowered:
.L_overlay_start_0:
0x88: {  	s2 =	sld [smem:$0x3FD9]  }
0x89: {  	s3 =	sld [smem:$0x3FFE];
	_ =	sdelay $0x1  }
0x8a: {  	s1 =	srdreg.scid  }
0x8b: {  	s0 =	sand.u32 $0x1, s1  }
0x8c: {  	s17 =	sshll.u32 s0, $0xA;
	s2 =	sadd.s32 s3, s2  }
0x8d: {  	s2 =	sadd.s32 s2, s17  }
0x8e: {  	[smem:$0x3FC5] =	sst s2  }
0x8f: {  	_ = 	snop  }
0x90: {  	s2 =	sld [smem:$0x3FD0];
	(tm) =	ssettm $0x1  }
0x91: {  	s18 =	sld [smem:$0x3FFB];
	_ =	sdelay $0x3  }
0x92: {  	_ =	strace s18  }
0x93: {  	s3 =	sld [smem:$0x3FFC];
	_ =	sdelay $0x3  }
0x94: {  	_ =	strace s3  }
0x95: {  	s3 =	sld [smem:$0x3FFD];
	_ =	sdelay $0x3  }
0x96: {  	_ =	strace s3  }
0x97: {  	_ =	strace $0x8FFFFFFF  }
0x98: {  	s19 =	sld [smem:$0x3FDB];
	_ =	sdelay $0x1  }
0x99: {  	s4 =	simm.s32 $_scs_section_size  }
0x9a: {  	s5 =	simm.s32 $_size__tile_overlayer_lowered;
	s6 =	simm.s32 $_tile_overlayer_lowered  }
0x9b: {  	s22 =	simm.s32 $0x1BFF;
	s21 =	sshll.u32 s6, $0x1;
	s3 =	sadd.s32 s4, s19  }
0x9c: {  	s7 =	simm.s32 $0x0;
	s20 =	sshll.u32 s5, $0x1;
	s5 =	sadd.s32 s21, s3  }
0x9d: {  	[timem:s7], [sflag:s22] =	dma.local [hbm:s5], s20  }
0x9e: {  	_ =	swait.ge [sflag:s22], s20  }
0x9f: {  	s4 =	ssub.s32 $0x0, s20;
	[sflag:s22] =	ssyncset.done $0x0  }
0xa0: {  	[sflag:s22] =	ssyncadd.s32 s4;
	_ =	sdelay $0x1  }
0xa1: {  	s23 =	simm.s32 $0x1B8B  }
0xa2: {  	_ =	swait.ge [sflag:s23], $0x1  }
0xa3: {  	[sflag:s23] =	ssyncset.done $0x0  }
0xa4: {  	s25 =	simm.s32 $0x1B8E;
	s24 =	sld [smem:$0x3FFE];
	[sflag:s23] =	ssyncadd.s32 $0xFFFFFFFF  }
0xa5: {  	s26 =	simm.s32 $execute0_lowered;
	[smem:$0x3FD2] =	sst s25  }
0xa6: {  	s5 =	sshll.u32 s26, $0x1;
	_ =	strace $0x80000046;
	[dreg:$0x1] =	wrdreg $0xFFFFFFFF  }
0xa7: {  	s28 =	simm.s32 $_size_execute0_lowered;
	s3 =	sadd.s32 s3, s5;
	[dreg:$0x0] =	wrdreg $0x0  }
0xa8: {  	s5 =	sshll.u32 s28, $0x1;
	[dreg:$0x2] =	wrdreg s3  }
0xa9: {  	[dreg:$0x3] =	wrdreg s5  }
0xaa: {  	[dreg:$0x4] =	wrdreg $0xC0  }
0xab: {  	_ =	task [dreg:s7], $0x5FFFF  }
0xac: {  	[dreg:$0x1] =	wrdreg $0xFFFFFFFF  }
0xad: {  	[dreg:$0x0] =	wrdreg $0x60  }
0xae: {  	[dreg:$0x2] =	wrdreg s24  }
0xaf: {  	[dreg:$0x3] =	wrdreg s2  }
0xb0: {  	[dreg:$0x4] =	wrdreg $0x9  }
0xb1: {  	_ =	task.clear_ibuf [dreg:s7], $0x5FFFF;
	_ =	strace $0x90000046  }
0xb2: {  	s29 =	simm.s32 $0x9;
	_ =	strace $0x80000048  }
0xb3: {  	_ =	swait.ge [sflag:s29], $0x1  }
0xb4: {  	[sflag:s29] =	ssyncadd.s32 $0xFFFFFFFF  }
0xb5: {  	_ =	strace $0x90000048  }
0xb6: {  	_ =	sfence  }
0xb7: {  	s30 =	sld [smem:$0x0];
	_ =	sdelay $0x2  }
0xb8: {  	s31 =	sshll.u32 s1, $0xD;
	s1 =	sshrl.u32 s1, $0x2  }
0xb9: {  	s3 =	sand.u32 $0x4000, s31;
	s1 =	sadd.s32 s1, s30  }
0xba: {  	s0 =	sor.u32 s3, s0;
	s1 =	sshll.u32 s1, $0x11  }
0xbb: {  	s0 =	sor.u32 s1, s0  }
0xbc: {  	s0 =	sadd.s32 $0x8F2B, s0  }
0xbd: {  	[sflag:s0] =	ssyncadd.remote.s32 $0x1  }
0xbe: {  	_ =	sfence.sel $0xFFFF  }
0xbf: {  	[dreg:$0x0] =	wrdreg $0xFFFFFFFF;
	(pc) =	sbr.abs _section_cstart, $3  }
0xc0: {  	[dreg:$0x1] =	wrdreg $0xFFFFFFFF  }
0xc1: {  	_ =	task.clear_ibuf [dreg:s7], $0x2FFFF;
	_ =	strace $0x9FFFFFFF  }
0xc2: {  	(tm) =	ssettm $0x7FFFFFFF  }
0xc3: {  	_ =	shalt  }
tec
execute0_lowered:
.L_overlay_start_1:
0x0: {  	(tag) =	ssettag $0x1  }
0x1: {  	s3 =	rddreg [dreg:$0x0];
	s0 =	stileid.u32  }
0x2: {  	s7 =	rddreg [dreg:$0x1];
	s2 =	srdreg.scid  }
0x3: {  	s1 =	rddreg [dreg:$0x2];
	s12 =	simm.s32 $0x10000;
	s13 =	simm.s32 $0x12580  }
0x4: {  	s14 =	simm.s32 $0x14B00;
	s15 =	simm.s32 $0x15300;
	s16 =	simm.s32 $0x0  }
0x5: {  	s4 =	sshll.u32 s0, $0x1;
	s5 =	sand.u32 $0x1, s2;
	s6 =	sshrl.u32 s0, $0x1  }
0x6: {  	s2 =	simm.s32 $0x0;
	s4 =	sand.u32 $0x2, s4;
	s9 =	smul.u32 $0x4B0, s6  }
0x7: {  	[smem:$0x7FF] =	sst s2;
	s6 =	smul.u32 $0x9600, s6;
	s4 =	sor.u32 s5, s4  }
0x8: {  	_ =	strace $0x80000047;
	s5 =	ssub.s32 $0x2, s5;
	s8 =	sshll.u32 s4, $0x4  }
0x9: {  	s9 =	sadd.s32 s9, s3;
	s10 =	sshll.u32 s4, $0x8;
	s11 =	sshrl.u32 s5, $0x1  }
0xa: {  	s4 =	sshll.u32 s4, $0x7;
	s8 =	sadd.s32 s8, s3;
	s10 =	sadd.s32 s10, s3  }
0xb: {  	s11 =	ssub.s32 s5, s11;
	s30 =	sor.u32 s6, s4;
	s4 =	sadd.s32 $0x800, s9  }
0xc: {  	s5 =	sadd.s32 $0x2E00, s9;
	s9 =	simm.s32 $0x80;
	s3 =	sadd.s32 $0x5400, s8  }
0xd: {  	s31 =	sshrl.u32 s30, $0x3;
	s6 =	sadd.s32 $0xD400, s10;
	s8 =	smax.u32 s11, $0x1  }
0xe: {  	v0 =	vimm.s32 $0x0;
	s10 =	simm.s32 $0x200;
	s11 =	simm.s32 $0x1;
	s7 =	sadd.s32 s7, s31  }
.LBB2_1:
0xf: {  	[tilespmem:s2], [sflag:$0x1] =	stream.strided.gather [hbm4b:s3+s9], $0x10000, s10, s9, $0x38;
	[tilespmem:$0x19E00] =	vst v63  }
0x10: {  	_ =	swait.ge [sflag:s11], $0x10000  }
0x11: {  	[sflag:s11] =	ssyncset.done $0x0  }
0x12: {  	[sflag:s11] =	ssyncadd.s32 $0xFFFF0000  }
0x13: {  	[tilespmem:s12], [sflag:$0x1] =	stream.linear.gather [hbm4b:s4+s2], $0x2580, $0x38;
	[tilespmem:$0x19E00] =	vst v63  }
0x14: {  	_ =	swait.ge [sflag:s11], $0x2580  }
0x15: {  	[sflag:s11] =	ssyncset.done $0x0  }
0x16: {  	[sflag:s11] =	ssyncadd.s32 $0xFFFFDA80  }
0x17: {  	[tilespmem:s13], [sflag:$0x1] =	stream.linear.gather [hbm4b:s5+s2], $0x2580, $0x38;
	[tilespmem:$0x19E00] =	vst v63  }
0x18: {  	_ =	swait.ge [sflag:s11], $0x2580  }
0x19: {  	[sflag:s11] =	ssyncset.done $0x0  }
0x1a: {  	[sflag:s11] =	ssyncadd.s32 $0xFFFFDA80  }
0x1b: {  	[tilespmem:s14], [sflag:$0x1] =	stream.linear.gather [hbm4b:s6+s2], $0x800, $0x38;
	[tilespmem:$0x19E00] =	vst v63  }
0x1c: {  	_ =	swait.ge [sflag:s11], $0x800  }
0x1d: {  	[sflag:s11] =	ssyncset.done $0x0  }
0x1e: {  	[sflag:s11] =	ssyncadd.s32 $0xFFFFF800  }
0x1f: {  	v1 =	vld [tilespmem:$0x14B00]  }
0x20: {  	v6 =	vld [tilespmem:$0x15100]  }
0x21: {  	v7 =	vld [tilespmem:$0x15180]  }
0x22: {  	v2 =	vld [tilespmem:$0x14B80]  }
0x23: {  	v3 =	vld [tilespmem:$0x14C00]  }
0x24: {  	v4 =	vld [tilespmem:$0x14C80]  }
0x25: {  	v5 =	vld [tilespmem:$0x14D00];
	(erf) = vrcp.f32 v6  }
0x26: {  	v8 =	vld [tilespmem:$0x14E80];
	(erf) = vrcp.f32 v7  }
0x27: {  	v9 =	vld [tilespmem:$0x14F00]  }
0x28: {  	v10 =	vld [tilespmem:$0x14F80]  }
0x29: {  	v11 =	vld [tilespmem:$0x15000]  }
0x2a: {  	v12 =	vld [tilespmem:$0x15080]  }
0x2b: {  	v14 =	vld [tilespmem:$0x15200]  }
0x2c: {  	s17 =	simm.s32 $0x0;
	v15 =	vld [tilespmem:$0x15280]  }
0x2d: {  	v17 =	vld [tilespmem:s17+$0x10000]  }
0x2e: {  	v6 =	vld [tilespmem:$0x14D80];
	v13 =	vpop (erf)  }
0x2f: {  	s18 =	simm.s32 $0x40;
	v7 =	vld [tilespmem:$0x14E00];
	v16 =	vpop (erf)  }
.LBB2_2:
0x30: {  	p0 =	sne.s32 s18, $0x95C0;
	v18 =	vld [tilespmem:s17+$0x12580];
	[tilespmem:s17+$0x17880] =	vst v0;
	_ =	sdelay $0x3  }
0x31: {  	v17 =	vsub.f32 v17, v14  }
.Ltmp0:
0x32: {  	v18 =	vsub.f32 v18, v15;
	(pc) =	sbr.rel @p0 .LBB2_2-.Ltmp0, $4  }
0x33: {  	v17 =	vmul.f32 v17, v13  }
0x34: {  	v18 =	vmul.f32 v18, v16  }
0x35: {  	s19 =	sshra.s32 s18, $0x2;
	[tilespmem:s17+$0x10000] =	vst v17  }
0x36: {  	s18 =	sadd.s32 $0x40, s18;
	v17 =	vld [tilespmem:s19+$0x10000];
	[tilespmem:s17+$0x12580] =	vst v18;
	s17 =	smov.u32 s19  }
0x37: {  	v18 =	vld [tilespmem:s17+$0x12580]  }
0x38: {  	v56 =	vshrl.u32 v2, $0x10  }
0x39: {  	v57 =	vshrl.u32 v3, $0x10;
	v58 =	vshrl.u32 v5, $0x10;
	v59 =	vshrl.u32 v6, $0x10  }
0x3a: {  	v60 =	vshrl.u32 v8, $0x10;
	v61 =	vshrl.u32 v9, $0x10;
	v62 =	vshrl.u32 v11, $0x10  }
0x3b: {  	v63 =	vshrl.u32 v12, $0x10;
	v14 =	vsub.f32 v17, v14;
	v17 =	vand.u32 $0x1, v57  }
0x3c: {  	v15 =	vsub.f32 v18, v15;
	v3 =	vadd.s32 v17, v3;
	v17 =	vand.u32 $0x1, v59  }
0x3d: {  	v13 =	vmul.f32 v14, v13;
	v3 =	vadd.s32 $0x7FFF, v3;
	v6 =	vadd.s32 v17, v6  }
0x3e: {  	v17 =	vand.u32 $0x1, v61;
	v14 =	vmul.f32 v15, v16;
	v15 =	vshrl.u32 v1, $0x10  }
0x3f: {  	v16 =	vand.u32 $0x1, v56;
	v3 =	vand.u32 $0xFFFF0000, v3;
	v6 =	vadd.s32 $0x7FFF, v6  }
0x40: {  	v9 =	vadd.s32 v17, v9;
	v17 =	vand.u32 $0x1, v63;
	v15 =	vand.u32 $0x1, v15  }
0x41: {  	v2 =	vadd.s32 v16, v2;
	v16 =	vand.u32 $0x1, v58;
	v6 =	vand.u32 $0xFFFF0000, v6  }
0x42: {  	v9 =	vadd.s32 $0x7FFF, v9;
	v12 =	vadd.s32 v17, v12;
	v1 =	vadd.s32 v15, v1  }
0x43: {  	v2 =	vadd.s32 $0x7FFF, v2;
	v15 =	vshrl.u32 v4, $0x10;
	v5 =	vadd.s32 v16, v5  }
0x44: {  	v16 =	vand.u32 $0x1, v60;
	v9 =	vand.u32 $0xFFFF0000, v9;
	v12 =	vadd.s32 $0x7FFF, v12  }
0x45: {  	v1 =	vadd.s32 $0x7FFF, v1;
	v2 =	vand.u32 $0xFFFF0000, v2;
	v15 =	vand.u32 $0x1, v15  }
0x46: {  	v5 =	vadd.s32 $0x7FFF, v5;
	v8 =	vadd.s32 v16, v8;
	v16 =	vand.u32 $0x1, v62  }
0x47: {  	v12 =	vand.u32 $0xFFFF0000, v12;
	v4 =	vadd.s32 v15, v4;
	v15 =	vshrl.u32 v7, $0x10  }
0x48: {  	v1 =	vand.u32 $0xFFFF0000, v1;
	v5 =	vand.u32 $0xFFFF0000, v5;
	v15 =	vand.u32 $0x1, v15  }
0x49: {  	v8 =	vadd.s32 $0x7FFF, v8;
	v7 =	vadd.s32 v15, v7;
	v15 =	vshrl.u32 v10, $0x10  }
0x4a: {  	v11 =	vadd.s32 v16, v11;
	v4 =	vadd.s32 $0x7FFF, v4;
	v15 =	vand.u32 $0x1, v15  }
0x4b: {  	[tilespmem:s17+$0x17880] =	vst v0;
	v8 =	vand.u32 $0xFFFF0000, v8;
	v11 =	vadd.s32 $0x7FFF, v11;
	v10 =	vadd.s32 v15, v10  }
0x4c: {  	[tilespmem:s17+$0x10000] =	vst v13;
	v4 =	vand.u32 $0xFFFF0000, v4;
	v7 =	vadd.s32 $0x7FFF, v7;
	v10 =	vadd.s32 $0x7FFF, v10  }
0x4d: {  	[tilespmem:s17+$0x12580] =	vst v14;
	s17 =	simm.s32 $0x0;
	v11 =	vand.u32 $0xFFFF0000, v11;
	v7 =	vand.u32 $0xFFFF0000, v7;
	v10 =	vand.u32 $0xFFFF0000, v10  }
.LBB2_4:
0x4e: {  	s18 =	scvt.s32.f32 s17;
	s19 =	simm.s32 $0x0  }
0x4f: {  	v14 =	vld [tilespmem:s19+$0x12580]  }
0x50: {  	v15 =	vld [tilespmem:s19+$0x10000];
	s18 =	smul.f32 $5.000000070e-02, s18;
	_ =	sdelay $0x1  }
0x51: {  	s18 =	sadd.f32 $4.000000060e-01, s18;
	_ =	sdelay $0x1  }
0x52: {  	v13 =	vmov s18  }
0x53: {  	v14 =	vmul.f32 v14, v13;
	v15 =	vmul.f32 v15, v13  }
0x54: {  	v16 =	vshrl.u32 v13, $0x10  }
0x55: {  	v16 =	vand.u32 $0x1, v16;
	v17 =	vshrl.u32 v14, $0x10;
	v18 =	vshrl.u32 v15, $0x10  }
0x56: {  	v16 =	vadd.s32 v16, v13;
	v17 =	vand.u32 $0x1, v17;
	v18 =	vand.u32 $0x1, v18  }
0x57: {  	v16 =	vadd.s32 $0x7FFF, v16;
	v14 =	vadd.s32 v17, v14;
	v15 =	vadd.s32 v18, v15  }
0x58: {  	v16 =	vand.u32 $0xFFFF0000, v16;
	v14 =	vadd.s32 $0x7FFF, v14;
	v15 =	vadd.s32 $0x7FFF, v15  }
0x59: {  	v17 =	vmul.f32 v16, v9;
	v18 =	vand.u32 $0xFFFF0000, v14;
	v19 =	vand.u32 $0xFFFF0000, v15  }
0x5a: {  	v14 =	vmul.f32 v18, v8;
	v20 =	vmul.f32 v19, v7  }
0x5b: {  	s18 =	simm.s32 $0x10  }
0x5c: {  	v23 =	vld [tilespmem:s18+$0x10000];
	v15 =	vadd.f32 v12, v17;
	v21 =	vmul.f32 v19, v1;
	v17 =	vadd.f32 v14, v20  }
0x5d: {  	v22 =	vmul.f32 v18, v2;
	v14 =	vmul.f32 v16, v3  }
0x5e: {  	v18 =	vmul.f32 v18, v5;
	v19 =	vmul.f32 v19, v4;
	v20 =	vadd.f32 v17, v15;
	v17 =	vld [tilespmem:s18+$0x12580]  }
0x5f: {  	v21 =	vadd.f32 v10, v21;
	v16 =	vmul.f32 v16, v6;
	v22 =	vadd.f32 v22, v14  }
0x60: {  	v18 =	vadd.f32 v11, v18;
	v24 =	vadd.f32 $1.258291200e+07, v20  }
0x61: {  	v19 =	vadd.f32 v19, v16;
	v21 =	vadd.f32 v22, v21;
	v22 =	vmul.f32 v23, v13  }
0x62: {  	v24 =	vadd.f32 $-1.258291200e+07, v24  }
0x63: {  	v18 =	vadd.f32 v18, v19;
	v26 =	vshrl.u32 v22, $0x10;
	v17 =	vmul.f32 v17, v13  }
0x64: {  	v26 =	vand.u32 $0x1, v26;
	v23 =	vtrunc.f32 v24;
	v24 =	vadd.f32 $1.258291200e+07, v21  }
0x65: {  	v19 =	vadd.s32 v26, v22;
	v23 =	vcvt.f32.s32 v23;
	v25 =	vshrl.u32 v17, $0x10  }
0x66: {  	v19 =	vadd.s32 $0x7FFF, v19;
	v24 =	vadd.f32 $-1.258291200e+07, v24;
	v25 =	vand.u32 $0x1, v25  }
0x67: {  	v19 =	vand.u32 $0xFFFF0000, v19;
	v17 =	vadd.s32 v25, v17;
	v25 =	vshll.u32 v23, $0x9  }
0x68: {  	v27 =	vmul.f32 v19, v7;
	v29 =	vmul.f32 v19, v4;
	v17 =	vadd.s32 $0x7FFF, v17  }
0x69: {  	v22 =	vtrunc.f32 v24;
	v24 =	vand.u32 $0xFFFF0000, v17;
	v17 =	vadd.f32 $1.258291200e+07, v18  }
0x6a: {  	v19 =	vmul.f32 v19, v1;
	v25 =	vand.u32 $0xC000, v25;
	v26 =	vmul.f32 v24, v8  }
0x6b: {  	v22 =	vcvt.f32.s32 v22;
	v29 =	vadd.f32 v29, v16;
	v17 =	vadd.f32 $-1.258291200e+07, v17  }
0x6c: {  	v19 =	vadd.f32 v10, v19;
	v28 =	vmul.f32 v24, v5;
	v26 =	vadd.f32 v26, v27  }
0x6d: {  	s20 =	simm.s32 $0x20;
	v24 =	vmul.f32 v24, v2;
	v27 =	vmax.f32 v18, v20;
	v30 =	vtrunc.f32 v17  }
0x6e: {  	v18 =	vmin.f32 v18, v20;
	v20 =	vld [tilespmem:s20+$0x12580];
	v17 =	vadd.f32 v26, v15;
	v26 =	vcvt.f32.s32 v30  }
0x6f: {  	v22 =	vand.u32 $0xFFFF, v22;
	v24 =	vadd.f32 v24, v14;
	v31 =	vmin.f32 v21, v18  }
0x70: {  	v21 =	vmax.f32 v21, v27;
	v30 =	vadd.f32 $1.258291200e+07, v17;
	v18 =	vshll.u32 v26, $0x7;
	v26 =	vld [tilespmem:s20+$0x10000]  }
0x71: {  	vm0 =	vge.f32 v31, $-5.000000000e-01;
	vm1 =	vlt.f32 v21, $1.275000000e+02;
	v18 =	vor.u32 v25, v18  }
0x72: {  	v25 =	vadd.f32 $-1.258291200e+07, v30;
	v30 =	vand.u32 $0xFF80, v18;
	v18 =	vadd.f32 v24, v19  }
0x73: {  	v24 =	vand.u32 $0x1F, v23;
	v23 =	vmul.f32 v20, v13;
	v22 =	vor.u32 v30, v22  }
0x74: {  	v28 =	vadd.f32 v11, v28;
	vm0 =	vmand vm0, vm1;
	v19 =	vtrunc.f32 v25  }
0x75: {  	v25 =	vadd.f32 $1.258291200e+07, v18;
	v21 =	vshrl.u32 v23, $0x10;
	v26 =	vmul.f32 v26, v13  }
0x76: {  	v20 =	vadd.f32 v28, v29;
	v19 =	vcvt.f32.s32 v19;
	v21 =	vand.u32 $0x1, v21  }
0x77: {  	v25 =	vadd.f32 $-1.258291200e+07, v25;
	v21 =	vadd.s32 v21, v23;
	v28 =	vshrl.u32 v26, $0x10  }
0x78: {  	v27 =	vshll.u32 v19, $0x9;
	v21 =	vadd.s32 $0x7FFF, v21;
	v29 =	vld.idx.msk [tilespmem:v22+s2+$0x0], $0xffff;
	v22 =	vand.u32 $0x1, v28  }
0x79: {  	v23 =	vand.u32 $0xC000, v27;
	v27 =	vand.u32 $0xFFFF0000, v21;
	v22 =	vadd.s32 v22, v26  }
0x7a: {  	v25 =	vtrunc.f32 v25;
	v30 =	vmul.f32 v27, v5;
	v26 =	vadd.s32 $0x7FFF, v22  }
0x7b: {  	v31 =	vld [tilespmem:s19+$0x17880];
	v22 =	vcvt.f32.s32 v25;
	v28 =	vand.u32 $0xFFFF0000, v26;
	v26 =	vadd.f32 $1.258291200e+07, v20  }
0x7c: {  	v21 =	vmax.f32 v20, v17;
	v25 =	vmul.f32 v27, v8;
	v32 =	vmul.f32 v28, v7  }
0x7d: {  	v33 =	vmul.f32 v28, v4;
	v34 =	vadd.f32 $-1.258291200e+07, v26;
	v26 =	vshrl.u32 v29, v24  }
0x7e: {  	v24 =	vadd.f32 v11, v30;
	v25 =	vadd.f32 v25, v32;
	v29 =	vand.u32 $0x1, v26  }
0x7f: {  	v26 =	vadd.f32 v33, v16;
	v30 =	vtrunc.f32 v34;
	v29 =	vnsel vm0, $0x0, v29  }
0x80: {  	s21 =	simm.s32 $0xC0;
	v25 =	vadd.f32 v25, v15;
	v30 =	vcvt.f32.s32 v30;
	v29 =	vor.u32 v31, v29  }
.LBB2_5:
0x81: {  	s22 =	sshra.s32 s21, $0x2;
	p0 =	sne.s32 s21, $0x95C0;
	s21 =	sadd.s32 $0x40, s21;
	v28 =	vmul.f32 v28, v1;
	v27 =	vmul.f32 v27, v2;
	v32 =	vmin.f32 v20, v17;
	[tilespmem:s19+$0x17880] =	vst v29  }
0x82: {  	s19 =	smov.u32 s18;
	s18 =	smov.u32 s20;
	v20 =	vld [tilespmem:s22+$0x12580];
	v29 =	vadd.f32 $1.258291200e+07, v25;
	v31 =	vmin.f32 v18, v32;
	v30 =	vshll.u32 v30, $0x7;
	v17 =	vmovc v25;
	s20 =	smov.u32 s22  }
0x83: {  	v25 =	vld [tilespmem:s20+$0x10000];
	v28 =	vadd.f32 v10, v28;
	v27 =	vadd.f32 v27, v14;
	v23 =	vor.u32 v23, v30  }
0x84: {  	v22 =	vand.u32 $0xFFFF, v22;
	v29 =	vadd.f32 $-1.258291200e+07, v29;
	v23 =	vand.u32 $0xFF80, v23  }
0x85: {  	vm0 =	vge.f32 v31, $-5.000000000e-01;
	v27 =	vadd.f32 v27, v28;
	v22 =	vor.u32 v23, v22  }
0x86: {  	v21 =	vmax.f32 v18, v21;
	v23 =	vtrunc.f32 v29;
	v29 =	vand.u32 $0x1F, v19  }
0x87: {  	v28 =	vmul.f32 v20, v13;
	v30 =	vadd.f32 $1.258291200e+07, v27;
	v19 =	vcvt.f32.s32 v23;
	v18 =	vmovc v27  }
0x88: {  	vm1 =	vlt.f32 v21, $1.275000000e+02;
	v20 =	vadd.f32 v24, v26;
	v23 =	vmul.f32 v25, v13  }
0x89: {  	v21 =	vshrl.u32 v28, $0x10;
	v24 =	vadd.f32 $-1.258291200e+07, v30;
	v25 =	vshll.u32 v19, $0x9  }
0x8a: {  	vm0 =	vmand vm0, vm1;
	v26 =	vshrl.u32 v23, $0x10;
	v21 =	vand.u32 $0x1, v21;
	v30 =	vld.idx.msk [tilespmem:v22+s2+$0x0], $0xffff  }
0x8b: {  	v22 =	vand.u32 $0x1, v26;
	v21 =	vadd.s32 v21, v28;
	v24 =	vtrunc.f32 v24  }
0x8c: {  	v22 =	vadd.s32 v22, v23;
	v21 =	vadd.s32 $0x7FFF, v21;
	v23 =	vand.u32 $0xC000, v25  }
0x8d: {  	v25 =	vadd.s32 $0x7FFF, v22;
	v27 =	vand.u32 $0xFFFF0000, v21;
	v22 =	vcvt.f32.s32 v24  }
0x8e: {  	v24 =	vadd.f32 $1.258291200e+07, v20;
	v28 =	vand.u32 $0xFFFF0000, v25;
	v25 =	vmul.f32 v27, v8;
	v31 =	vld [tilespmem:s19+$0x17880]  }
.Ltmp1:
0x8f: {  	v21 =	vmax.f32 v20, v17;
	v26 =	vmul.f32 v27, v5;
	v32 =	vmul.f32 v28, v7;
	(pc) =	sbr.rel @p0 .LBB2_5-.Ltmp1, $4  }
0x90: {  	v33 =	vmul.f32 v28, v4;
	v34 =	vadd.f32 $-1.258291200e+07, v24;
	v29 =	vshrl.u32 v30, v29  }
0x91: {  	v24 =	vadd.f32 v11, v26;
	v29 =	vand.u32 $0x1, v29;
	v25 =	vadd.f32 v25, v32  }
0x92: {  	v26 =	vadd.f32 v33, v16;
	v30 =	vtrunc.f32 v34;
	v29 =	vnsel vm0, $0x0, v29  }
0x93: {  	v30 =	vcvt.f32.s32 v30;
	v25 =	vadd.f32 v25, v15;
	v29 =	vor.u32 v31, v29  }
0x94: {  	v13 =	vmul.f32 v28, v1;
	v15 =	vmul.f32 v27, v2  }
0x95: {  	v55 =	vadd.f32 v24, v26;
	v16 =	vshll.u32 v30, $0x7  }
0x96: {  	v13 =	vadd.f32 v10, v13;
	v14 =	vadd.f32 v15, v14;
	v15 =	vor.u32 v23, v16  }
0x97: {  	v22 =	vand.u32 $0xFFFF, v22;
	v56 =	vadd.f32 $1.258291200e+07, v25;
	v15 =	vand.u32 $0xFF80, v15  }
0x98: {  	v13 =	vadd.f32 v14, v13;
	v14 =	vor.u32 v15, v22;
	v15 =	vadd.f32 $1.258291200e+07, v55  }
0x99: {  	v57 =	vadd.f32 $-1.258291200e+07, v56  }
0x9a: {  	v58 =	vadd.f32 $1.258291200e+07, v13;
	v15 =	vadd.f32 $-1.258291200e+07, v15  }
0x9b: {  	v22 =	vtrunc.f32 v57  }
0x9c: {  	[tilespmem:s19+$0x17880] =	vst v29;
	v22 =	vcvt.f32.s32 v22;
	v23 =	vadd.f32 $-1.258291200e+07, v58;
	v15 =	vtrunc.f32 v15  }
0x9d: {  	v17 =	vmin.f32 v20, v17;
	v14 =	vld.idx.msk [tilespmem:v14+s2+$0x0], $0xffff;
	v15 =	vcvt.f32.s32 v15  }
0x9e: {  	v60 =	vmax.f32 v18, v21;
	v59 =	vshll.u32 v22, $0x9;
	v23 =	vtrunc.f32 v23  }
0x9f: {  	v20 =	vand.u32 $0xC000, v59;
	v23 =	vcvt.f32.s32 v23;
	v15 =	vshll.u32 v15, $0x7  }
0xa0: {  	v19 =	vand.u32 $0x1F, v19;
	v17 =	vmin.f32 v18, v17;
	v61 =	vld [tilespmem:s18+$0x17880];
	v15 =	vor.u32 v20, v15  }
0xa1: {  	vm1 =	vlt.f32 v60, $1.275000000e+02;
	v15 =	vand.u32 $0xFF80, v15;
	v62 =	vand.u32 $0xFFFF, v23  }
0xa2: {  	vm0 =	vge.f32 v17, $-5.000000000e-01;
	v14 =	vshrl.u32 v14, v19;
	v15 =	vor.u32 v15, v62  }
0xa3: {  	vm0 =	vmand vm0, vm1;
	v14 =	vand.u32 $0x1, v14  }
0xa4: {  	v14 =	vnsel vm0, $0x0, v14  }
0xa5: {  	v14 =	vor.u32 v61, v14  }
0xa6: {  	[tilespmem:s18+$0x17880] =	vst v14  }
0xa7: {  	v14 =	vld.idx.msk [tilespmem:v15+s2+$0x0], $0xffff;
	_ =	sdelay $0x2  }
0xa8: {  	s17 =	sadd.s32 $0x1, s17;
	v16 =	vmin.f32 v55, v25;
	v15 =	vmax.f32 v55, v25;
	v63 =	vld [tilespmem:s20+$0x17880]  }
0xa9: {  	p0 =	sne.s32 s17, $0x48;
	v16 =	vmin.f32 v13, v16;
	v13 =	vmax.f32 v13, v15;
	v15 =	vand.u32 $0x1F, v22  }
.Ltmp2:
0xaa: {  	vm14 =	vge.f32 v16, $-5.000000000e-01;
	vm15 =	vlt.f32 v13, $1.275000000e+02;
	v13 =	vshrl.u32 v14, v15;
	(pc) =	sbr.rel @p0 .LBB2_4-.Ltmp2, $4  }
0xab: {  	vm0 =	vmand vm14, vm15;
	v13 =	vand.u32 $0x1, v13  }
0xac: {  	v13 =	vnsel vm0, $0x0, v13  }
0xad: {  	v13 =	vor.u32 v63, v13  }
0xae: {  	[tilespmem:s20+$0x17880] =	vst v13  }
0xaf: {  	s17 =	simm.s32 $0x0  }
0xb0: {  	v1 =	vld [tilespmem:s17+$0x17880]  }
0xb1: {  	s18 =	simm.s32 $0x40  }
.LBB2_8:
0xb2: {  	p0 =	sne.s32 s18, $0x95C0  }
.Ltmp3:
0xb3: {  	_ = 	snop;
	(pc) =	sbr.rel @p0 .LBB2_8-.Ltmp3, $4  }
0xb4: {  	_ = 	snop  }
0xb5: {  	s19 =	sshra.s32 s18, $0x2;
	s18 =	sadd.s32 $0x40, s18;
	v2 =	vcvt.s32.f32 v1  }
0xb6: {  	v1 =	vld [tilespmem:s19+$0x17880]  }
0xb7: {  	[tilespmem:s17+$0x15300] =	vst v2;
	s17 =	smov.u32 s19  }
0xb8: {  	_ =	sdelay $0x2  }
0xb9: {  	s16 =	sadd.s32 $0x1, s16;
	v1 =	vcvt.s32.f32 v1  }
0xba: {  	p0 =	sne.s32 s16, s8  }
.Ltmp4:
0xbb: {  	[tilespmem:s17+$0x15300] =	vst v1;
	(pc) =	sbr.rel @p0 .LBB2_1-.Ltmp4, $4  }
0xbc: {  	[hbm4b:s7+s9] =	stream.strided.scatter [tilespmem:s15], [sflag:$0x1], $0x2580, s10, s9, $0x38;
	[tilespmem:$0x19E00] =	vst v63  }
0xbd: {  	_ =	swait.ge [sflag:s11], $0x2580  }
0xbe: {  	[sflag:s11] =	ssyncset.done $0x0  }
0xbf: {  	[sflag:s11] =	ssyncadd.s32 $0xFFFFDA80  }
0xc0: {  	_ =	sfence.sel $0x180000  }
0xc1: {  	[bflag:$0x0] =	sbarrier.arrive $0xFFFF  }
0xc2: {  	p0 =	sne.s32 s0, $0x0;
	_ =	strace $0x90000047  }
0xc3: {  	s0 =	sadd.s32 @!p0 $0x100000, s1;
	[bflag:$0x2] =	sbarrier.arrive $0xFFFF  }
0xc4: {  	[sflag:s0] =	ssyncadd.tile.s32 @!p0 $0x1;
	_ =	shalt  }
.Lfunc_end2:
_tile_overlayer_lowered:
.L_overlay_start_2:
0xc5: {  	(tag) =	ssettag $0x2  }
0xc6: {  	s0 =	rddreg [dreg:$0x0];
	s2 =	stileid.u32  }
0xc7: {  	s1 =	rddreg [dreg:$0x1];
	p0 =	sne.s32 s2, $0x0  }
0xc8: {  	s3 =	rddreg [dreg:$0x2];
	[bflag:$0x3] =	sbarrier.arrive $0xFFFF;
	s2 =	simm.s32 @!p0 $0x1C01  }
0xc9: {  	[timem:s3], [sflag:s2] =	dma.local @!p0 [hbm:s0], s1  }
0xca: {  	s0 =	simm.s32 @!p0 $0x1  }
0xcb: {  	_ =	swait.ge @!p0 [sflag:s0], s1  }
0xcc: {  	s1 =	ssub.s32 @!p0 $0x0, s1;
	[sflag:s0] =	ssyncset.done @!p0 $0x0  }
0xcd: {  	[sflag:s0] =	ssyncadd.s32 @!p0 s1  }
0xce: {  	[bflag:$0x3] =	sbarrier.arrive $0xFFFF  }
0xcf: {  	_ =	shalt  }

</sc_bundles>
